<compile_context>
chip_gen: v7x
topology: tpu7x:2x2x1
jax: 0.10.2.dev20260603
libtpu: 0.0.44.dev20260713+nightly
codegen_flags: <defaults>
</compile_context>

<pallas_src>
import functools

import jax
import jax.numpy as jnp
from jax import lax
from jax.experimental import pallas as pl
from jax.experimental.pallas import tpu as pltpu
from jax.experimental.pallas import tpu_sc as plsc

N = 10000
E = 320000
D = 128
G = 128

NC = 2
NS = 16
NW = NC * NS

CHUNK = 128
CH_PT = 80
NCHUNKS = CH_PT * NW
EPAD = NCHUNKS * CHUNK - E
ROWS_PT = 624

BR = 2000
NBLK = N // BR


def _sc_agg_body(h_hbm, src_hbm, dst_hbm, w_hbm, zero_hbm, out_hbm,
                 src_v, dst_v, w_v, rows, acc, gsem):
    c = lax.axis_index("c")
    s = lax.axis_index("s")
    wid = s * NC + c

    c0 = wid * CH_PT
    pltpu.sync_copy(src_hbm.at[pl.ds(c0, CH_PT)], src_v)
    pltpu.sync_copy(dst_hbm.at[pl.ds(c0, CH_PT)], dst_v)
    pltpu.sync_copy(w_hbm.at[pl.ds(c0 * CHUNK, CH_PT * CHUNK)], w_v)

    r0 = s * ROWS_PT
    rtail = NS * ROWS_PT
    pltpu.sync_copy(zero_hbm.at[pl.ds(r0, ROWS_PT)], acc.at[pl.ds(r0, ROWS_PT)])

    @pl.when(s == NS - 1)
    def _():
        pltpu.sync_copy(zero_hbm.at[pl.ds(rtail, N - rtail)],
                        acc.at[pl.ds(rtail, N - rtail)])

    plsc.subcore_barrier()

    def step(g, carry):
        pltpu.async_copy(h_hbm.at[src_v.at[g]], rows, gsem).wait()

        def srow(j, carry2):
            wsp = plsc.load_gather(w_v, [jnp.full((16,), g * CHUNK, jnp.int32)
                                         + j])
            for t in range(D // 16):
                rows[j, pl.ds(t * 16, 16)] = rows[j, pl.ds(t * 16, 16)] * wsp
            return carry2

        lax.fori_loop(0, CHUNK, srow, 0, unroll=False)

        pltpu.sync_copy(rows, acc.at[dst_v.at[g]], add=True)
        return carry

    lax.fori_loop(0, CH_PT, step, 0, unroll=False)
    plsc.subcore_barrier()

    pltpu.sync_copy(acc.at[pl.ds(r0, ROWS_PT)], out_hbm.at[c, pl.ds(r0, ROWS_PT)])

    @pl.when(s == NS - 1)
    def _():
        pltpu.sync_copy(acc.at[pl.ds(rtail, N - rtail)],
                        out_hbm.at[c, pl.ds(rtail, N - rtail)])


_sc_agg = functools.partial(
    pl.kernel,
    out_type=jax.ShapeDtypeStruct((NC, N, D), jnp.float32),
    mesh=plsc.VectorSubcoreMesh(core_axis_name="c", subcore_axis_name="s"),
    scratch_types=[
        pltpu.VMEM((CH_PT, CHUNK), jnp.int32),
        pltpu.VMEM((CH_PT, CHUNK), jnp.int32),
        pltpu.VMEM((CH_PT * CHUNK,), jnp.float32),
        pltpu.VMEM((CHUNK, D), jnp.float32),
        pltpu.MemorySpace.VMEM_SHARED((N, D), jnp.float32),
        pltpu.SemaphoreType.DMA,
    ],
    compiler_params=pltpu.CompilerParams(needs_layout_passes=False),
)(_sc_agg_body)


def _mlp_body(h_ref, p0_ref, p1_ref, w1_ref, w2_ref, vec_ref, r_ref, st_ref):
    i = pl.program_id(0)
    eps_row = vec_ref[4, :]
    z = h_ref[...] * (1.0 + eps_row)[None, :] + p0_ref[...] + p1_ref[...]
    a = jnp.maximum(
        lax.dot(z, w1_ref[...], preferred_element_type=jnp.float32)
        + vec_ref[0, :][None, :], 0.0)
    u = (lax.dot(a, w2_ref[...], preferred_element_type=jnp.float32)
         + vec_ref[1, :][None, :])
    r = jnp.maximum(u, 0.0)
    r_ref[...] = r
    ps = jnp.concatenate(
        [jnp.sum(r, 0, keepdims=True),
         jnp.sum(r * r, 0, keepdims=True),
         jnp.zeros((6, D), jnp.float32)], 0)

    @pl.when(i == 0)
    def _():
        st_ref[...] = ps

    @pl.when(i > 0)
    def _():
        st_ref[...] += ps


def _mlp_call(h, p0, p1, w1, w2, vecs):
    return pl.pallas_call(
        _mlp_body,
        grid=(NBLK,),
        in_specs=[
            pl.BlockSpec((BR, D), lambda i: (i, 0)),
            pl.BlockSpec((BR, D), lambda i: (i, 0)),
            pl.BlockSpec((BR, D), lambda i: (i, 0)),
            pl.BlockSpec((D, D), lambda i: (0, 0)),
            pl.BlockSpec((D, D), lambda i: (0, 0)),
            pl.BlockSpec((8, D), lambda i: (0, 0)),
        ],
        out_specs=[
            pl.BlockSpec((BR, D), lambda i: (i, 0)),
            pl.BlockSpec((8, D), lambda i: (0, 0)),
        ],
        out_shape=[
            jax.ShapeDtypeStruct((N, D), jnp.float32),
            jax.ShapeDtypeStruct((8, D), jnp.float32),
        ],
        compiler_params=pltpu.CompilerParams(
            dimension_semantics=("arbitrary",)),
    )(h, p0, p1, w1, w2, vecs)


def _bn_body(r_ref, st_ref, vec_ref, b_ref, hn_ref, pg_ref):
    i = pl.program_id(0)
    m = st_ref[0, :] * (1.0 / N)
    v = st_ref[1, :] * (1.0 / N) - m * m
    inv = lax.rsqrt(v + 1e-5)
    gamma = vec_ref[2, :]
    beta = vec_ref[3, :]
    scale = gamma * inv
    shift = beta - m * scale
    hn = r_ref[...] * scale[None, :] + shift[None, :]
    hn_ref[...] = hn
    b = b_ref[0, 0, :]
    gi = lax.broadcasted_iota(jnp.int32, (G, BR), 0)
    oh = (gi == b[None, :]).astype(jnp.float32)
    pg = lax.dot(oh, hn, preferred_element_type=jnp.float32)

    @pl.when(i == 0)
    def _():
        pg_ref[...] = pg

    @pl.when(i > 0)
    def _():
        pg_ref[...] += pg


def _bn_call(r, st, vecs, batch3):
    return pl.pallas_call(
        _bn_body,
        grid=(NBLK,),
        in_specs=[
            pl.BlockSpec((BR, D), lambda i: (i, 0)),
            pl.BlockSpec((8, D), lambda i: (0, 0)),
            pl.BlockSpec((8, D), lambda i: (0, 0)),
            pl.BlockSpec((1, 1, BR), lambda i: (i, 0, 0)),
        ],
        out_specs=[
            pl.BlockSpec((BR, D), lambda i: (i, 0)),
            pl.BlockSpec((G, D), lambda i: (0, 0)),
        ],
        out_shape=[
            jax.ShapeDtypeStruct((N, D), jnp.float32),
            jax.ShapeDtypeStruct((G, D), jnp.float32),
        ],
        compiler_params=pltpu.CompilerParams(
            dimension_semantics=("arbitrary",)),
    )(r, st, vecs, batch3)


def kernel(x, edge_index, edge_weight, batch, pool,
           eps_0, W1_0, b1_0, W2_0, b2_0, gamma_0, beta_0,
           eps_1, W1_1, b1_1, W2_1, b2_1, gamma_1, beta_1,
           eps_2, W1_2, b1_2, W2_2, b2_2, gamma_2, beta_2):
    pad_i = jnp.zeros((EPAD,), jnp.int32)
    src2 = jnp.concatenate([edge_index[0], pad_i]).reshape(NCHUNKS, CHUNK)
    dst2 = jnp.concatenate([edge_index[1], pad_i]).reshape(NCHUNKS, CHUNK)
    w1d = jnp.concatenate([edge_weight, jnp.zeros((EPAD,), jnp.float32)])
    zeros = jnp.zeros((N, D), jnp.float32)
    batch3 = batch.reshape(NBLK, 1, BR)

    layers = [
        (eps_0, W1_0, b1_0, W2_0, b2_0, gamma_0, beta_0),
        (eps_1, W1_1, b1_1, W2_1, b2_1, gamma_1, beta_1),
        (eps_2, W1_2, b1_2, W2_2, b2_2, gamma_2, beta_2),
    ]

    h = x
    hs = []
    pooled = []
    for (eps, w1, b1, w2, b2, gamma, beta) in layers:
        vecs = jnp.concatenate(
            [b1[None, :], b2[None, :], gamma[None, :], beta[None, :],
             jnp.full((1, D), eps, jnp.float32),
             jnp.zeros((3, D), jnp.float32)], 0)
        parts = _sc_agg(h, src2, dst2, w1d, zeros)
        r, st = _mlp_call(h, parts[0], parts[1], w1, w2, vecs)
        hn, pg = _bn_call(r, st, vecs, batch3)
        h = hn
        hs.append(hn)
        pooled.append(pg)

    return jnp.concatenate(pooled, axis=1), jnp.concatenate(hs, axis=1)

# --- scband reference (transcript-rebuilt; emitter-appended) ---
"""Pipeline reference for scband-encoder-11991548690655 (READ-ONLY COPY).

The authoritative reference and input builder live on the scoring server;
editing this copy changes nothing except your own understanding.
"""

import jax, jax.numpy as jnp
import numpy as np

N = 10000
E = 320000
FEAT = 128
DIM = 128
G = 128
L = 3


def _mlp(h, W1, b1, W2, b2):
    return jnp.maximum(h @ W1 + b1, 0.0) @ W2 + b2


def _bn(h, gamma, beta):
    m = jnp.mean(h, axis=0)
    v = jnp.var(h, axis=0)
    return gamma * (h - m) / jnp.sqrt(v + 1e-5) + beta


def setup_inputs(seed: int = 0):
    key = jax.random.key(seed)
    ks = jax.random.split(key, 40)
    inp = {}
    inp["x"] = jax.random.normal(ks[0], (N, FEAT), dtype=jnp.float32)
    inp["edge_index"] = jax.random.randint(ks[1], (2, E), 0, N, dtype=jnp.int32)
    inp["edge_weight"] = jax.random.uniform(ks[2], (E,), dtype=jnp.float32)
    inp["batch"] = jnp.sort(jax.random.randint(ks[3], (N,), 0, G, dtype=jnp.int32))
    inp["pool"] = 0
    k = 4
    for i in range(L):
        fin = FEAT if i == 0 else DIM
        inp[f"eps_{i}"] = jnp.zeros((), dtype=jnp.float32)
        inp[f"W1_{i}"] = jax.random.normal(ks[k], (fin, DIM), dtype=jnp.float32) * (1.0 / np.sqrt(fin)); k += 1
        inp[f"b1_{i}"] = jnp.zeros((DIM,), dtype=jnp.float32)
        inp[f"W2_{i}"] = jax.random.normal(ks[k], (DIM, DIM), dtype=jnp.float32) * (1.0 / np.sqrt(DIM)); k += 1
        inp[f"b2_{i}"] = jnp.zeros((DIM,), dtype=jnp.float32)
        inp[f"gamma_{i}"] = jnp.ones((DIM,), dtype=jnp.float32)
        inp[f"beta_{i}"] = jnp.zeros((DIM,), dtype=jnp.float32)
    return inp


def _forward(x, edge_weight, params, edge_index, batch, pool):
    src = edge_index[0]
    dst = edge_index[1]
    h = x
    xs = []
    for (eps, W1, b1, W2, b2, gamma, beta) in params:
        # WGINConv: sum-aggregate edge-weighted neighbor features, then GIN MLP
        msg = h[src] * edge_weight[:, None]
        agg = jax.ops.segment_sum(msg, dst, num_segments=N)
        h = _mlp((1.0 + eps) * h + agg, W1, b1, W2, b2)
        h = jnp.maximum(h, 0.0)
        h = _bn(h, gamma, beta)
        xs.append(h)
    if pool == 'mean':
        cnt = jnp.maximum(jax.ops.segment_sum(jnp.ones((N,), dtype=x.dtype), batch, num_segments=G), 1.0)
        xpool = [jax.ops.segment_sum(t, batch, num_segments=G) / cnt[:, None] for t in xs]
    else:
        xpool = [jax.ops.segment_sum(t, batch, num_segments=G) for t in xs]
    return (jnp.concatenate(xpool, axis=1), jnp.concatenate(xs, axis=1))


def reference(x, edge_index, edge_weight, batch, pool, eps_0, W1_0, b1_0, W2_0, b2_0, gamma_0, beta_0, eps_1, W1_1, b1_1, W2_1, b2_1, gamma_1, beta_1, eps_2, W1_2, b1_2, W2_2, b2_2, gamma_2, beta_2):
    params = [
        (eps_0, W1_0, b1_0, W2_0, b2_0, gamma_0, beta_0),
        (eps_1, W1_1, b1_1, W2_1, b2_1, gamma_1, beta_1),
        (eps_2, W1_2, b1_2, W2_2, b2_2, gamma_2, beta_2),
    ]
    return _forward(x, edge_weight, params, edge_index, batch, pool)

if __name__ == "__main__":
    import jax
    _d = setup_inputs()
    print(jax.jit(kernel)(*tuple(_d.values())))

</pallas_src>

<mosaic_0001>
#map = affine_map<(d0, d1) -> (0, 0)>
#map1 = affine_map<(d0, d1) -> (0)>
#map2 = affine_map<(d0, d1) -> (0, 0, 0)>
module attributes {stable_mosaic.version = 14 : i64} {
  func.func @_sc_agg_body(%arg0: i32, %arg1: i32, %arg2: memref<10000x128xf32, #tpu.memory_space<hbm>>, %arg3: memref<2560x128xi32, #tpu.memory_space<hbm>>, %arg4: memref<2560x128xi32, #tpu.memory_space<hbm>>, %arg5: memref<327680xf32, #tpu.memory_space<hbm>>, %arg6: memref<10000x128xf32, #tpu.memory_space<hbm>>, %arg7: memref<2x10000x128xf32, #tpu.memory_space<hbm>>, %arg8: memref<80x128xi32, #tpu.memory_space<vmem>>, %arg9: memref<80x128xi32, #tpu.memory_space<vmem>>, %arg10: memref<10240xf32, #tpu.memory_space<vmem>>, %arg11: memref<128x128xf32, #tpu.memory_space<vmem>>, %arg12: memref<10000x128xf32, #tpu.memory_space<vmem_shared>>, %arg13: memref<!tpu.dma_semaphore, #tpu.memory_space<semaphore_mem>>) attributes {dimension_semantics = [#tpu.dimension_semantics<core_parallel>, #tpu.dimension_semantics<subcore_parallel>], iteration_bounds = array<i64: 2, 16>, scalar_prefetch = 0 : i64, scratch_operands = 6 : i64, tpu.core_type = #tpu.core_type<sc_vector_subcore>, window_params = [{transform_indices = #map}, {transform_indices = #map}, {transform_indices = #map}, {transform_indices = #map1}, {transform_indices = #map}, {transform_indices = #map2}]} {
    %mul3A = arith.constant 2 : i32
    %mul3A_0 = arith.muli %arg1, %mul3A : i32
    %add3A = arith.addi %mul3A_0, %arg0 : i32
    %mul3A_1 = arith.constant 80 : i32
    %mul3A_2 = arith.muli %add3A, %mul3A_1 : i32
    "tpu.region"() ({
      %run_scoped3A = tpu.sem_alloc : memref<!tpu.dma_semaphore, #tpu.memory_space<semaphore_mem>>
      %dma_start3A = arith.constant 0 : i32
      %dma_start3A_20 = tpu.memref_slice %arg3[%mul3A_2, %dma_start3A] : memref<2560x128xi32, #tpu.memory_space<hbm>> -> memref<80x128xi32, #tpu.memory_space<hbm>>
      %dma_start3A_21 = arith.constant 0 : i32
      %dma_start3A_22 = tpu.memref_slice %arg3[%mul3A_2, %dma_start3A_21] : memref<2560x128xi32, #tpu.memory_space<hbm>> -> memref<80x128xi32, #tpu.memory_space<hbm>>
      tpu.enqueue_dma source(%dma_start3A_22 : memref<80x128xi32, #tpu.memory_space<hbm>>) target(%arg8 : memref<80x128xi32, #tpu.memory_space<vmem>>) target_semaphore(%run_scoped3A : memref<!tpu.dma_semaphore, #tpu.memory_space<semaphore_mem>>)
      %dma_wait3A = arith.constant 0 : i32
      %dma_wait3A_23 = tpu.memref_slice %arg3[%mul3A_2, %dma_wait3A] : memref<2560x128xi32, #tpu.memory_space<hbm>> -> memref<80x128xi32, #tpu.memory_space<hbm>>
      %dma_wait3A_24 = arith.constant 0 : i32
      %dma_wait3A_25 = tpu.memref_slice %arg3[%mul3A_2, %dma_wait3A_24] : memref<2560x128xi32, #tpu.memory_space<hbm>> -> memref<80x128xi32, #tpu.memory_space<hbm>>
      tpu.wait_dma2 semaphore(%run_scoped3A : memref<!tpu.dma_semaphore, #tpu.memory_space<semaphore_mem>>) src(%dma_wait3A_25 : memref<80x128xi32, #tpu.memory_space<hbm>>) dst(%arg8 : memref<80x128xi32, #tpu.memory_space<vmem>>)
      tpu.yield
    }) : () -> ()
    "tpu.region"() ({
      %run_scoped3A = tpu.sem_alloc : memref<!tpu.dma_semaphore, #tpu.memory_space<semaphore_mem>>
      %dma_start3A = arith.constant 0 : i32
      %dma_start3A_20 = tpu.memref_slice %arg4[%mul3A_2, %dma_start3A] : memref<2560x128xi32, #tpu.memory_space<hbm>> -> memref<80x128xi32, #tpu.memory_space<hbm>>
      %dma_start3A_21 = arith.constant 0 : i32
      %dma_start3A_22 = tpu.memref_slice %arg4[%mul3A_2, %dma_start3A_21] : memref<2560x128xi32, #tpu.memory_space<hbm>> -> memref<80x128xi32, #tpu.memory_space<hbm>>
      tpu.enqueue_dma source(%dma_start3A_22 : memref<80x128xi32, #tpu.memory_space<hbm>>) target(%arg9 : memref<80x128xi32, #tpu.memory_space<vmem>>) target_semaphore(%run_scoped3A : memref<!tpu.dma_semaphore, #tpu.memory_space<semaphore_mem>>)
      %dma_wait3A = arith.constant 0 : i32
      %dma_wait3A_23 = tpu.memref_slice %arg4[%mul3A_2, %dma_wait3A] : memref<2560x128xi32, #tpu.memory_space<hbm>> -> memref<80x128xi32, #tpu.memory_space<hbm>>
      %dma_wait3A_24 = arith.constant 0 : i32
      %dma_wait3A_25 = tpu.memref_slice %arg4[%mul3A_2, %dma_wait3A_24] : memref<2560x128xi32, #tpu.memory_space<hbm>> -> memref<80x128xi32, #tpu.memory_space<hbm>>
      tpu.wait_dma2 semaphore(%run_scoped3A : memref<!tpu.dma_semaphore, #tpu.memory_space<semaphore_mem>>) src(%dma_wait3A_25 : memref<80x128xi32, #tpu.memory_space<hbm>>) dst(%arg9 : memref<80x128xi32, #tpu.memory_space<vmem>>)
      tpu.yield
    }) : () -> ()
    %mul3A_3 = arith.constant 128 : i32
    %mul3A_4 = arith.muli %mul3A_2, %mul3A_3 : i32
    "tpu.region"() ({
      %run_scoped3A = tpu.sem_alloc : memref<!tpu.dma_semaphore, #tpu.memory_space<semaphore_mem>>
      %dma_start3A = tpu.memref_slice %arg5[%mul3A_4] : memref<327680xf32, #tpu.memory_space<hbm>> -> memref<10240xf32, #tpu.memory_space<hbm>>
      %dma_start3A_20 = tpu.memref_slice %arg5[%mul3A_4] : memref<327680xf32, #tpu.memory_space<hbm>> -> memref<10240xf32, #tpu.memory_space<hbm>>
      tpu.enqueue_dma source(%dma_start3A_20 : memref<10240xf32, #tpu.memory_space<hbm>>) target(%arg10 : memref<10240xf32, #tpu.memory_space<vmem>>) target_semaphore(%run_scoped3A : memref<!tpu.dma_semaphore, #tpu.memory_space<semaphore_mem>>)
      %dma_wait3A = tpu.memref_slice %arg5[%mul3A_4] : memref<327680xf32, #tpu.memory_space<hbm>> -> memref<10240xf32, #tpu.memory_space<hbm>>
      %dma_wait3A_21 = tpu.memref_slice %arg5[%mul3A_4] : memref<327680xf32, #tpu.memory_space<hbm>> -> memref<10240xf32, #tpu.memory_space<hbm>>
      tpu.wait_dma2 semaphore(%run_scoped3A : memref<!tpu.dma_semaphore, #tpu.memory_space<semaphore_mem>>) src(%dma_wait3A_21 : memref<10240xf32, #tpu.memory_space<hbm>>) dst(%arg10 : memref<10240xf32, #tpu.memory_space<vmem>>)
      tpu.yield
    }) : () -> ()
    %mul3A_5 = arith.constant 624 : i32
    %mul3A_6 = arith.muli %arg1, %mul3A_5 : i32
    "tpu.region"() ({
      %run_scoped3A = tpu.sem_alloc : memref<!tpu.dma_semaphore, #tpu.memory_space<semaphore_mem>>
      %dma_start3A = arith.constant 0 : i32
      %dma_start3A_20 = tpu.memref_slice %arg12[%mul3A_6, %dma_start3A] : memref<10000x128xf32, #tpu.memory_space<vmem_shared>> -> memref<624x128xf32, #tpu.memory_space<vmem_shared>>
      %dma_start3A_21 = arith.constant 0 : i32
      %dma_start3A_22 = tpu.memref_slice %arg6[%mul3A_6, %dma_start3A_21] : memref<10000x128xf32, #tpu.memory_space<hbm>> -> memref<624x128xf32, #tpu.memory_space<hbm>>
      tpu.enqueue_dma source(%dma_start3A_22 : memref<624x128xf32, #tpu.memory_space<hbm>>) target(%dma_start3A_20 : memref<624x128xf32, #tpu.memory_space<vmem_shared>>) target_semaphore(%run_scoped3A : memref<!tpu.dma_semaphore, #tpu.memory_space<semaphore_mem>>)
      %dma_wait3A = arith.constant 0 : i32
      %dma_wait3A_23 = tpu.memref_slice %arg12[%mul3A_6, %dma_wait3A] : memref<10000x128xf32, #tpu.memory_space<vmem_shared>> -> memref<624x128xf32, #tpu.memory_space<vmem_shared>>
      %dma_wait3A_24 = arith.constant 0 : i32
      %dma_wait3A_25 = tpu.memref_slice %arg6[%mul3A_6, %dma_wait3A_24] : memref<10000x128xf32, #tpu.memory_space<hbm>> -> memref<624x128xf32, #tpu.memory_space<hbm>>
      tpu.wait_dma2 semaphore(%run_scoped3A : memref<!tpu.dma_semaphore, #tpu.memory_space<semaphore_mem>>) src(%dma_wait3A_25 : memref<624x128xf32, #tpu.memory_space<hbm>>) dst(%dma_wait3A_23 : memref<624x128xf32, #tpu.memory_space<vmem_shared>>)
      tpu.yield
    }) : () -> ()
    %eq3A = arith.constant 15 : i32
    %eq3A_7 = arith.cmpi eq, %arg1, %eq3A : i32
    %convert_element_type3A = arith.extui %eq3A_7 : i1 to i32
    %cond3A = arith.constant 0 : i32
    %cond3A_8 = arith.cmpi ne, %convert_element_type3A, %cond3A : i32
    scf.if %cond3A_8 {
      "tpu.region"() ({
        %run_scoped3A = tpu.sem_alloc : memref<!tpu.dma_semaphore, #tpu.memory_space<semaphore_mem>>
        %dma_start3A = arith.constant 9984 : i32
        %dma_start3A_20 = arith.constant 0 : i32
        %dma_start3A_21 = tpu.memref_slice %arg12[%dma_start3A, %dma_start3A_20] : memref<10000x128xf32, #tpu.memory_space<vmem_shared>> -> memref<16x128xf32, #tpu.memory_space<vmem_shared>>
        %dma_start3A_22 = arith.constant 9984 : i32
        %dma_start3A_23 = arith.constant 0 : i32
        %dma_start3A_24 = tpu.memref_slice %arg6[%dma_start3A_22, %dma_start3A_23] : memref<10000x128xf32, #tpu.memory_space<hbm>> -> memref<16x128xf32, #tpu.memory_space<hbm>>
        tpu.enqueue_dma source(%dma_start3A_24 : memref<16x128xf32, #tpu.memory_space<hbm>>) target(%dma_start3A_21 : memref<16x128xf32, #tpu.memory_space<vmem_shared>>) target_semaphore(%run_scoped3A : memref<!tpu.dma_semaphore, #tpu.memory_space<semaphore_mem>>)
        %dma_wait3A = arith.constant 9984 : i32
        %dma_wait3A_25 = arith.constant 0 : i32
        %dma_wait3A_26 = tpu.memref_slice %arg12[%dma_wait3A, %dma_wait3A_25] : memref<10000x128xf32, #tpu.memory_space<vmem_shared>> -> memref<16x128xf32, #tpu.memory_space<vmem_shared>>
        %dma_wait3A_27 = arith.constant 9984 : i32
        %dma_wait3A_28 = arith.constant 0 : i32
        %dma_wait3A_29 = tpu.memref_slice %arg6[%dma_wait3A_27, %dma_wait3A_28] : memref<10000x128xf32, #tpu.memory_space<hbm>> -> memref<16x128xf32, #tpu.memory_space<hbm>>
        tpu.wait_dma2 semaphore(%run_scoped3A : memref<!tpu.dma_semaphore, #tpu.memory_space<semaphore_mem>>) src(%dma_wait3A_29 : memref<16x128xf32, #tpu.memory_space<hbm>>) dst(%dma_wait3A_26 : memref<16x128xf32, #tpu.memory_space<vmem_shared>>)
        tpu.yield
      }) : () -> ()
    } else {
    }
    %barrier3A = arith.constant 0 : index
    tpu.barrier barrier_id(%barrier3A)
    %scan3A = arith.constant 0 : i32
    %scan3A_9 = arith.constant 0 : i32
    %scan3A_10 = arith.constant 80 : i32
    %scan3A_11 = arith.addi %scan3A_9, %scan3A_10 : i32
    %scan3A_12 = arith.constant 1 : i32
    scf.for %scan3A_20 = %scan3A_9 to %scan3A_11 step %scan3A_12  : i32 {
      %dma_start3A = arith.constant 0 : i32
      %dma_start3A_21 = tpu.memref_slice %arg8[%scan3A_20, %dma_start3A] : memref<80x128xi32, #tpu.memory_space<vmem>> -> memref<1x128xi32, #tpu.memory_space<vmem>>
      %dma_start3A_22 = tpu.memref_squeeze %dma_start3A_21 : memref<1x128xi32, #tpu.memory_space<vmem>> -> memref<128xi32, #tpu.memory_space<vmem>>
      %dma_start3A_23 = arith.constant 0 : i32
      %dma_start3A_24 = arith.constant 0 : i32
      %dma_start3A_25 = tpu.memref_slice %arg2[%dma_start3A_23, %dma_start3A_24] : memref<10000x128xf32, #tpu.memory_space<hbm>> -> memref<10000x128xf32, #tpu.memory_space<hbm>>
      tpu.enqueue_indirect_dma source(%dma_start3A_25 : memref<10000x128xf32, #tpu.memory_space<hbm>>) target(%arg11 : memref<128x128xf32, #tpu.memory_space<vmem>>) offsets(%dma_start3A_22 : memref<128xi32, #tpu.memory_space<vmem>>) semaphore(%arg13 : memref<!tpu.dma_semaphore, #tpu.memory_space<semaphore_mem>>)
      %dma_wait3A = arith.constant 0 : i32
      %dma_wait3A_26 = tpu.memref_slice %arg8[%scan3A_20, %dma_wait3A] : memref<80x128xi32, #tpu.memory_space<vmem>> -> memref<1x128xi32, #tpu.memory_space<vmem>>
      %dma_wait3A_27 = tpu.memref_squeeze %dma_wait3A_26 : memref<1x128xi32, #tpu.memory_space<vmem>> -> memref<128xi32, #tpu.memory_space<vmem>>
      %dma_wait3A_28 = arith.constant 0 : i32
      %dma_wait3A_29 = arith.constant 0 : i32
      %dma_wait3A_30 = tpu.memref_slice %arg2[%dma_wait3A_28, %dma_wait3A_29] : memref<10000x128xf32, #tpu.memory_space<hbm>> -> memref<10000x128xf32, #tpu.memory_space<hbm>>
      tpu.wait_indirect_dma semaphore(%arg13 : memref<!tpu.dma_semaphore, #tpu.memory_space<semaphore_mem>>) src(%dma_wait3A_30 : memref<10000x128xf32, #tpu.memory_space<hbm>>) dst(%arg11 : memref<128x128xf32, #tpu.memory_space<vmem>>)
      %scan3A_31 = arith.constant 0 : i32
      %scan3A_32 = arith.constant 0 : i32
      %scan3A_33 = arith.constant 128 : i32
      %scan3A_34 = arith.addi %scan3A_32, %scan3A_33 : i32
      %scan3A_35 = arith.constant 1 : i32
      scf.for %scan3A_37 = %scan3A_32 to %scan3A_34 step %scan3A_35  : i32 {
        %mul3A_38 = arith.constant 128 : i32
        %mul3A_39 = arith.muli %scan3A_20, %mul3A_38 : i32
        %broadcast_in_dim3A = vector.broadcast %mul3A_39 : i32 to vector<16xi32>
        %add3A_40 = vector.broadcast %scan3A_37 : i32 to vector<16xi32>
        %add3A_41 = arith.addi %broadcast_in_dim3A, %add3A_40 : vector<16xi32>
        %gather3A = tpu.vector_load_idx %arg10[%add3A_41] : memref<10240xf32, #tpu.memory_space<vmem>>[vector<16xi32>], vector<16xf32>,
        %get3A = arith.index_cast %scan3A_37 : i32 to index
        %get3A_42 = arith.constant 0 : index
        %get3A_43 = tpu.vector_load %arg11[%get3A, %get3A_42] {strides = array<i32>} : memref<128x128xf32, #tpu.memory_space<vmem>>, vector<16xf32>,
        %mul3A_44 = arith.mulf %get3A_43, %gather3A : vector<16xf32>
        %swap3A = arith.index_cast %scan3A_37 : i32 to index
        %swap3A_45 = arith.constant 0 : index
        %swap3A_46 = tpu.vector_load %arg11[%swap3A, %swap3A_45] {strides = array<i32>} : memref<128x128xf32, #tpu.memory_space<vmem>>, vector<16xf32>,
        tpu.vector_store %arg11[%swap3A, %swap3A_45], %mul3A_44 {strides = array<i32>} : memref<128x128xf32, #tpu.memory_space<vmem>>, vector<16xf32>,
        %get3A_47 = arith.index_cast %scan3A_37 : i32 to index
        %get3A_48 = arith.constant 16 : index
        %get3A_49 = tpu.vector_load %arg11[%get3A_47, %get3A_48] {strides = array<i32>} : memref<128x128xf32, #tpu.memory_space<vmem>>, vector<16xf32>,
        %mul3A_50 = arith.mulf %get3A_49, %gather3A : vector<16xf32>
        %swap3A_51 = arith.index_cast %scan3A_37 : i32 to index
        %swap3A_52 = arith.constant 16 : index
        %swap3A_53 = tpu.vector_load %arg11[%swap3A_51, %swap3A_52] {strides = array<i32>} : memref<128x128xf32, #tpu.memory_space<vmem>>, vector<16xf32>,
        tpu.vector_store %arg11[%swap3A_51, %swap3A_52], %mul3A_50 {strides = array<i32>} : memref<128x128xf32, #tpu.memory_space<vmem>>, vector<16xf32>,
        %get3A_54 = arith.index_cast %scan3A_37 : i32 to index
        %get3A_55 = arith.constant 32 : index
        %get3A_56 = tpu.vector_load %arg11[%get3A_54, %get3A_55] {strides = array<i32>} : memref<128x128xf32, #tpu.memory_space<vmem>>, vector<16xf32>,
        %mul3A_57 = arith.mulf %get3A_56, %gather3A : vector<16xf32>
        %swap3A_58 = arith.index_cast %scan3A_37 : i32 to index
        %swap3A_59 = arith.constant 32 : index
        %swap3A_60 = tpu.vector_load %arg11[%swap3A_58, %swap3A_59] {strides = array<i32>} : memref<128x128xf32, #tpu.memory_space<vmem>>, vector<16xf32>,
        tpu.vector_store %arg11[%swap3A_58, %swap3A_59], %mul3A_57 {strides = array<i32>} : memref<128x128xf32, #tpu.memory_space<vmem>>, vector<16xf32>,
        %get3A_61 = arith.index_cast %scan3A_37 : i32 to index
        %get3A_62 = arith.constant 48 : index
        %get3A_63 = tpu.vector_load %arg11[%get3A_61, %get3A_62] {strides = array<i32>} : memref<128x128xf32, #tpu.memory_space<vmem>>, vector<16xf32>,
        %mul3A_64 = arith.mulf %get3A_63, %gather3A : vector<16xf32>
        %swap3A_65 = arith.index_cast %scan3A_37 : i32 to index
        %swap3A_66 = arith.constant 48 : index
        %swap3A_67 = tpu.vector_load %arg11[%swap3A_65, %swap3A_66] {strides = array<i32>} : memref<128x128xf32, #tpu.memory_space<vmem>>, vector<16xf32>,
        tpu.vector_store %arg11[%swap3A_65, %swap3A_66], %mul3A_64 {strides = array<i32>} : memref<128x128xf32, #tpu.memory_space<vmem>>, vector<16xf32>,
        %get3A_68 = arith.index_cast %scan3A_37 : i32 to index
        %get3A_69 = arith.constant 64 : index
        %get3A_70 = tpu.vector_load %arg11[%get3A_68, %get3A_69] {strides = array<i32>} : memref<128x128xf32, #tpu.memory_space<vmem>>, vector<16xf32>,
        %mul3A_71 = arith.mulf %get3A_70, %gather3A : vector<16xf32>
        %swap3A_72 = arith.index_cast %scan3A_37 : i32 to index
        %swap3A_73 = arith.constant 64 : index
        %swap3A_74 = tpu.vector_load %arg11[%swap3A_72, %swap3A_73] {strides = array<i32>} : memref<128x128xf32, #tpu.memory_space<vmem>>, vector<16xf32>,
        tpu.vector_store %arg11[%swap3A_72, %swap3A_73], %mul3A_71 {strides = array<i32>} : memref<128x128xf32, #tpu.memory_space<vmem>>, vector<16xf32>,
        %get3A_75 = arith.index_cast %scan3A_37 : i32 to index
        %get3A_76 = arith.constant 80 : index
        %get3A_77 = tpu.vector_load %arg11[%get3A_75, %get3A_76] {strides = array<i32>} : memref<128x128xf32, #tpu.memory_space<vmem>>, vector<16xf32>,
        %mul3A_78 = arith.mulf %get3A_77, %gather3A : vector<16xf32>
        %swap3A_79 = arith.index_cast %scan3A_37 : i32 to index
        %swap3A_80 = arith.constant 80 : index
        %swap3A_81 = tpu.vector_load %arg11[%swap3A_79, %swap3A_80] {strides = array<i32>} : memref<128x128xf32, #tpu.memory_space<vmem>>, vector<16xf32>,
        tpu.vector_store %arg11[%swap3A_79, %swap3A_80], %mul3A_78 {strides = array<i32>} : memref<128x128xf32, #tpu.memory_space<vmem>>, vector<16xf32>,
        %get3A_82 = arith.index_cast %scan3A_37 : i32 to index
        %get3A_83 = arith.constant 96 : index
        %get3A_84 = tpu.vector_load %arg11[%get3A_82, %get3A_83] {strides = array<i32>} : memref<128x128xf32, #tpu.memory_space<vmem>>, vector<16xf32>,
        %mul3A_85 = arith.mulf %get3A_84, %gather3A : vector<16xf32>
        %swap3A_86 = arith.index_cast %scan3A_37 : i32 to index
        %swap3A_87 = arith.constant 96 : index
        %swap3A_88 = tpu.vector_load %arg11[%swap3A_86, %swap3A_87] {strides = array<i32>} : memref<128x128xf32, #tpu.memory_space<vmem>>, vector<16xf32>,
        tpu.vector_store %arg11[%swap3A_86, %swap3A_87], %mul3A_85 {strides = array<i32>} : memref<128x128xf32, #tpu.memory_space<vmem>>, vector<16xf32>,
        %get3A_89 = arith.index_cast %scan3A_37 : i32 to index
        %get3A_90 = arith.constant 112 : index
        %get3A_91 = tpu.vector_load %arg11[%get3A_89, %get3A_90] {strides = array<i32>} : memref<128x128xf32, #tpu.memory_space<vmem>>, vector<16xf32>,
        %mul3A_92 = arith.mulf %get3A_91, %gather3A : vector<16xf32>
        %swap3A_93 = arith.index_cast %scan3A_37 : i32 to index
        %swap3A_94 = arith.constant 112 : index
        %swap3A_95 = tpu.vector_load %arg11[%swap3A_93, %swap3A_94] {strides = array<i32>} : memref<128x128xf32, #tpu.memory_space<vmem>>, vector<16xf32>,
        tpu.vector_store %arg11[%swap3A_93, %swap3A_94], %mul3A_92 {strides = array<i32>} : memref<128x128xf32, #tpu.memory_space<vmem>>, vector<16xf32>,
      }
      %scan3A_36 = arith.constant 128 : i32
      "tpu.region"() ({
        %run_scoped3A = tpu.sem_alloc : memref<!tpu.dma_semaphore, #tpu.memory_space<semaphore_mem>>
        %dma_start3A_37 = arith.constant 0 : i32
        %dma_start3A_38 = tpu.memref_slice %arg9[%scan3A_20, %dma_start3A_37] : memref<80x128xi32, #tpu.memory_space<vmem>> -> memref<1x128xi32, #tpu.memory_space<vmem>>
        %dma_start3A_39 = tpu.memref_squeeze %dma_start3A_38 : memref<1x128xi32, #tpu.memory_space<vmem>> -> memref<128xi32, #tpu.memory_space<vmem>>
        %dma_start3A_40 = arith.constant 0 : i32
        %dma_start3A_41 = arith.constant 0 : i32
        %dma_start3A_42 = tpu.memref_slice %arg12[%dma_start3A_40, %dma_start3A_41] : memref<10000x128xf32, #tpu.memory_space<vmem_shared>> -> memref<10000x128xf32, #tpu.memory_space<vmem_shared>>
        tpu.enqueue_indirect_dma source(%arg11 : memref<128x128xf32, #tpu.memory_space<vmem>>) target(%dma_start3A_42 : memref<10000x128xf32, #tpu.memory_space<vmem_shared>>) offsets(%dma_start3A_39 : memref<128xi32, #tpu.memory_space<vmem>>) semaphore(%run_scoped3A : memref<!tpu.dma_semaphore, #tpu.memory_space<semaphore_mem>>) {add = true}
        %dma_wait3A_43 = arith.constant 0 : i32
        %dma_wait3A_44 = tpu.memref_slice %arg9[%scan3A_20, %dma_wait3A_43] : memref<80x128xi32, #tpu.memory_space<vmem>> -> memref<1x128xi32, #tpu.memory_space<vmem>>
        %dma_wait3A_45 = tpu.memref_squeeze %dma_wait3A_44 : memref<1x128xi32, #tpu.memory_space<vmem>> -> memref<128xi32, #tpu.memory_space<vmem>>
        %dma_wait3A_46 = arith.constant 0 : i32
        %dma_wait3A_47 = arith.constant 0 : i32
        %dma_wait3A_48 = tpu.memref_slice %arg12[%dma_wait3A_46, %dma_wait3A_47] : memref<10000x128xf32, #tpu.memory_space<vmem_shared>> -> memref<10000x128xf32, #tpu.memory_space<vmem_shared>>
        tpu.wait_indirect_dma semaphore(%run_scoped3A : memref<!tpu.dma_semaphore, #tpu.memory_space<semaphore_mem>>) src(%arg11 : memref<128x128xf32, #tpu.memory_space<vmem>>) dst(%dma_wait3A_48 : memref<10000x128xf32, #tpu.memory_space<vmem_shared>>)
        tpu.yield
      }) : () -> ()
    }
    %scan3A_13 = arith.constant 80 : i32
    %barrier3A_14 = arith.constant 0 : index
    tpu.barrier barrier_id(%barrier3A_14)
    "tpu.region"() ({
      %run_scoped3A = tpu.sem_alloc : memref<!tpu.dma_semaphore, #tpu.memory_space<semaphore_mem>>
      %dma_start3A = arith.constant 0 : i32
      %dma_start3A_20 = tpu.memref_slice %arg7[%arg0, %mul3A_6, %dma_start3A] : memref<2x10000x128xf32, #tpu.memory_space<hbm>> -> memref<1x624x128xf32, #tpu.memory_space<hbm>>
      %dma_start3A_21 = tpu.memref_squeeze %dma_start3A_20 : memref<1x624x128xf32, #tpu.memory_space<hbm>> -> memref<624x128xf32, #tpu.memory_space<hbm>>
      %dma_start3A_22 = arith.constant 0 : i32
      %dma_start3A_23 = tpu.memref_slice %arg12[%mul3A_6, %dma_start3A_22] : memref<10000x128xf32, #tpu.memory_space<vmem_shared>> -> memref<624x128xf32, #tpu.memory_space<vmem_shared>>
      tpu.enqueue_dma source(%dma_start3A_23 : memref<624x128xf32, #tpu.memory_space<vmem_shared>>) target(%dma_start3A_21 : memref<624x128xf32, #tpu.memory_space<hbm>>) target_semaphore(%run_scoped3A : memref<!tpu.dma_semaphore, #tpu.memory_space<semaphore_mem>>)
      %dma_wait3A = arith.constant 0 : i32
      %dma_wait3A_24 = tpu.memref_slice %arg7[%arg0, %mul3A_6, %dma_wait3A] : memref<2x10000x128xf32, #tpu.memory_space<hbm>> -> memref<1x624x128xf32, #tpu.memory_space<hbm>>
      %dma_wait3A_25 = tpu.memref_squeeze %dma_wait3A_24 : memref<1x624x128xf32, #tpu.memory_space<hbm>> -> memref<624x128xf32, #tpu.memory_space<hbm>>
      %dma_wait3A_26 = arith.constant 0 : i32
      %dma_wait3A_27 = tpu.memref_slice %arg12[%mul3A_6, %dma_wait3A_26] : memref<10000x128xf32, #tpu.memory_space<vmem_shared>> -> memref<624x128xf32, #tpu.memory_space<vmem_shared>>
      tpu.wait_dma2 semaphore(%run_scoped3A : memref<!tpu.dma_semaphore, #tpu.memory_space<semaphore_mem>>) src(%dma_wait3A_27 : memref<624x128xf32, #tpu.memory_space<vmem_shared>>) dst(%dma_wait3A_25 : memref<624x128xf32, #tpu.memory_space<hbm>>)
      tpu.yield
    }) : () -> ()
    %eq3A_15 = arith.constant 15 : i32
    %eq3A_16 = arith.cmpi eq, %arg1, %eq3A_15 : i32
    %convert_element_type3A_17 = arith.extui %eq3A_16 : i1 to i32
    %cond3A_18 = arith.constant 0 : i32
    %cond3A_19 = arith.cmpi ne, %convert_element_type3A_17, %cond3A_18 : i32
    scf.if %cond3A_19 {
      "tpu.region"() ({
        %run_scoped3A = tpu.sem_alloc : memref<!tpu.dma_semaphore, #tpu.memory_space<semaphore_mem>>
        %dma_start3A = arith.constant 9984 : i32
        %dma_start3A_20 = arith.constant 0 : i32
        %dma_start3A_21 = tpu.memref_slice %arg7[%arg0, %dma_start3A, %dma_start3A_20] : memref<2x10000x128xf32, #tpu.memory_space<hbm>> -> memref<1x16x128xf32, #tpu.memory_space<hbm>>
        %dma_start3A_22 = tpu.memref_squeeze %dma_start3A_21 : memref<1x16x128xf32, #tpu.memory_space<hbm>> -> memref<16x128xf32, #tpu.memory_space<hbm>>
        %dma_start3A_23 = arith.constant 9984 : i32
        %dma_start3A_24 = arith.constant 0 : i32
        %dma_start3A_25 = tpu.memref_slice %arg12[%dma_start3A_23, %dma_start3A_24] : memref<10000x128xf32, #tpu.memory_space<vmem_shared>> -> memref<16x128xf32, #tpu.memory_space<vmem_shared>>
        tpu.enqueue_dma source(%dma_start3A_25 : memref<16x128xf32, #tpu.memory_space<vmem_shared>>) target(%dma_start3A_22 : memref<16x128xf32, #tpu.memory_space<hbm>>) target_semaphore(%run_scoped3A : memref<!tpu.dma_semaphore, #tpu.memory_space<semaphore_mem>>)
        %dma_wait3A = arith.constant 9984 : i32
        %dma_wait3A_26 = arith.constant 0 : i32
        %dma_wait3A_27 = tpu.memref_slice %arg7[%arg0, %dma_wait3A, %dma_wait3A_26] : memref<2x10000x128xf32, #tpu.memory_space<hbm>> -> memref<1x16x128xf32, #tpu.memory_space<hbm>>
        %dma_wait3A_28 = tpu.memref_squeeze %dma_wait3A_27 : memref<1x16x128xf32, #tpu.memory_space<hbm>> -> memref<16x128xf32, #tpu.memory_space<hbm>>
        %dma_wait3A_29 = arith.constant 9984 : i32
        %dma_wait3A_30 = arith.constant 0 : i32
        %dma_wait3A_31 = tpu.memref_slice %arg12[%dma_wait3A_29, %dma_wait3A_30] : memref<10000x128xf32, #tpu.memory_space<vmem_shared>> -> memref<16x128xf32, #tpu.memory_space<vmem_shared>>
        tpu.wait_dma2 semaphore(%run_scoped3A : memref<!tpu.dma_semaphore, #tpu.memory_space<semaphore_mem>>) src(%dma_wait3A_31 : memref<16x128xf32, #tpu.memory_space<vmem_shared>>) dst(%dma_wait3A_28 : memref<16x128xf32, #tpu.memory_space<hbm>>)
        tpu.yield
      }) : () -> ()
    } else {
    }
    return
  }
}

#map = affine_map<(d0, d1) -> (0, 0)>
#map1 = affine_map<(d0, d1) -> (0)>
#map2 = affine_map<(d0, d1) -> (0, 0, 0)>
module attributes {stable_mosaic.version = 14 : i64} {
  func.func @_sc_agg_body(%arg0: i32, %arg1: i32, %arg2: memref<10000x128xf32, #tpu.memory_space<hbm>>, %arg3: memref<2560x128xi32, #tpu.memory_space<hbm>>, %arg4: memref<2560x128xi32, #tpu.memory_space<hbm>>, %arg5: memref<327680xf32, #tpu.memory_space<hbm>>, %arg6: memref<10000x128xf32, #tpu.memory_space<hbm>>, %arg7: memref<2x10000x128xf32, #tpu.memory_space<hbm>>, %arg8: memref<80x128xi32, #tpu.memory_space<vmem>>, %arg9: memref<80x128xi32, #tpu.memory_space<vmem>>, %arg10: memref<10240xf32, #tpu.memory_space<vmem>>, %arg11: memref<128x128xf32, #tpu.memory_space<vmem>>, %arg12: memref<10000x128xf32, #tpu.memory_space<vmem_shared>>, %arg13: memref<!tpu.dma_semaphore, #tpu.memory_space<semaphore_mem>>) attributes {dimension_semantics = [#tpu.dimension_semantics<core_parallel>, #tpu.dimension_semantics<subcore_parallel>], iteration_bounds = array<i64: 2, 16>, scalar_prefetch = 0 : i64, scratch_operands = 6 : i64, tpu.core_type = #tpu.core_type<sc_vector_subcore>, window_params = [{transform_indices = #map}, {transform_indices = #map}, {transform_indices = #map}, {transform_indices = #map1}, {transform_indices = #map}, {transform_indices = #map2}]} {
    %mul3A = arith.constant 2 : i32
    %mul3A_0 = arith.muli %arg1, %mul3A : i32
    %add3A = arith.addi %mul3A_0, %arg0 : i32
    %mul3A_1 = arith.constant 80 : i32
    %mul3A_2 = arith.muli %add3A, %mul3A_1 : i32
    "tpu.region"() ({
      %run_scoped3A = tpu.sem_alloc : memref<!tpu.dma_semaphore, #tpu.memory_space<semaphore_mem>>
      %dma_start3A = arith.constant 0 : i32
      %dma_start3A_20 = tpu.memref_slice %arg3[%mul3A_2, %dma_start3A] : memref<2560x128xi32, #tpu.memory_space<hbm>> -> memref<80x128xi32, #tpu.memory_space<hbm>>
      %dma_start3A_21 = arith.constant 0 : i32
      %dma_start3A_22 = tpu.memref_slice %arg3[%mul3A_2, %dma_start3A_21] : memref<2560x128xi32, #tpu.memory_space<hbm>> -> memref<80x128xi32, #tpu.memory_space<hbm>>
      tpu.enqueue_dma source(%dma_start3A_22 : memref<80x128xi32, #tpu.memory_space<hbm>>) target(%arg8 : memref<80x128xi32, #tpu.memory_space<vmem>>) target_semaphore(%run_scoped3A : memref<!tpu.dma_semaphore, #tpu.memory_space<semaphore_mem>>)
      %dma_wait3A = arith.constant 0 : i32
      %dma_wait3A_23 = tpu.memref_slice %arg3[%mul3A_2, %dma_wait3A] : memref<2560x128xi32, #tpu.memory_space<hbm>> -> memref<80x128xi32, #tpu.memory_space<hbm>>
      %dma_wait3A_24 = arith.constant 0 : i32
      %dma_wait3A_25 = tpu.memref_slice %arg3[%mul3A_2, %dma_wait3A_24] : memref<2560x128xi32, #tpu.memory_space<hbm>> -> memref<80x128xi32, #tpu.memory_space<hbm>>
      tpu.wait_dma2 semaphore(%run_scoped3A : memref<!tpu.dma_semaphore, #tpu.memory_space<semaphore_mem>>) src(%dma_wait3A_25 : memref<80x128xi32, #tpu.memory_space<hbm>>) dst(%arg8 : memref<80x128xi32, #tpu.memory_space<vmem>>)
      tpu.yield
    }) : () -> ()
    "tpu.region"() ({
      %run_scoped3A = tpu.sem_alloc : memref<!tpu.dma_semaphore, #tpu.memory_space<semaphore_mem>>
      %dma_start3A = arith.constant 0 : i32
      %dma_start3A_20 = tpu.memref_slice %arg4[%mul3A_2, %dma_start3A] : memref<2560x128xi32, #tpu.memory_space<hbm>> -> memref<80x128xi32, #tpu.memory_space<hbm>>
      %dma_start3A_21 = arith.constant 0 : i32
      %dma_start3A_22 = tpu.memref_slice %arg4[%mul3A_2, %dma_start3A_21] : memref<2560x128xi32, #tpu.memory_space<hbm>> -> memref<80x128xi32, #tpu.memory_space<hbm>>
      tpu.enqueue_dma source(%dma_start3A_22 : memref<80x128xi32, #tpu.memory_space<hbm>>) target(%arg9 : memref<80x128xi32, #tpu.memory_space<vmem>>) target_semaphore(%run_scoped3A : memref<!tpu.dma_semaphore, #tpu.memory_space<semaphore_mem>>)
      %dma_wait3A = arith.constant 0 : i32
      %dma_wait3A_23 = tpu.memref_slice %arg4[%mul3A_2, %dma_wait3A] : memref<2560x128xi32, #tpu.memory_space<hbm>> -> memref<80x128xi32, #tpu.memory_space<hbm>>
      %dma_wait3A_24 = arith.constant 0 : i32
      %dma_wait3A_25 = tpu.memref_slice %arg4[%mul3A_2, %dma_wait3A_24] : memref<2560x128xi32, #tpu.memory_space<hbm>> -> memref<80x128xi32, #tpu.memory_space<hbm>>
      tpu.wait_dma2 semaphore(%run_scoped3A : memref<!tpu.dma_semaphore, #tpu.memory_space<semaphore_mem>>) src(%dma_wait3A_25 : memref<80x128xi32, #tpu.memory_space<hbm>>) dst(%arg9 : memref<80x128xi32, #tpu.memory_space<vmem>>)
      tpu.yield
    }) : () -> ()
    %mul3A_3 = arith.constant 128 : i32
    %mul3A_4 = arith.muli %mul3A_2, %mul3A_3 : i32
    "tpu.region"() ({
      %run_scoped3A = tpu.sem_alloc : memref<!tpu.dma_semaphore, #tpu.memory_space<semaphore_mem>>
      %dma_start3A = tpu.memref_slice %arg5[%mul3A_4] : memref<327680xf32, #tpu.memory_space<hbm>> -> memref<10240xf32, #tpu.memory_space<hbm>>
      %dma_start3A_20 = tpu.memref_slice %arg5[%mul3A_4] : memref<327680xf32, #tpu.memory_space<hbm>> -> memref<10240xf32, #tpu.memory_space<hbm>>
      tpu.enqueue_dma source(%dma_start3A_20 : memref<10240xf32, #tpu.memory_space<hbm>>) target(%arg10 : memref<10240xf32, #tpu.memory_space<vmem>>) target_semaphore(%run_scoped3A : memref<!tpu.dma_semaphore, #tpu.memory_space<semaphore_mem>>)
      %dma_wait3A = tpu.memref_slice %arg5[%mul3A_4] : memref<327680xf32, #tpu.memory_space<hbm>> -> memref<10240xf32, #tpu.memory_space<hbm>>
      %dma_wait3A_21 = tpu.memref_slice %arg5[%mul3A_4] : memref<327680xf32, #tpu.memory_space<hbm>> -> memref<10240xf32, #tpu.memory_space<hbm>>
      tpu.wait_dma2 semaphore(%run_scoped3A : memref<!tpu.dma_semaphore, #tpu.memory_space<semaphore_mem>>) src(%dma_wait3A_21 : memref<10240xf32, #tpu.memory_space<hbm>>) dst(%arg10 : memref<10240xf32, #tpu.memory_space<vmem>>)
      tpu.yield
    }) : () -> ()
    %mul3A_5 = arith.constant 624 : i32
    %mul3A_6 = arith.muli %arg1, %mul3A_5 : i32
    "tpu.region"() ({
      %run_scoped3A = tpu.sem_alloc : memref<!tpu.dma_semaphore, #tpu.memory_space<semaphore_mem>>
      %dma_start3A = arith.constant 0 : i32
      %dma_start3A_20 = tpu.memref_slice %arg12[%mul3A_6, %dma_start3A] : memref<10000x128xf32, #tpu.memory_space<vmem_shared>> -> memref<624x128xf32, #tpu.memory_space<vmem_shared>>
      %dma_start3A_21 = arith.constant 0 : i32
      %dma_start3A_22 = tpu.memref_slice %arg6[%mul3A_6, %dma_start3A_21] : memref<10000x128xf32, #tpu.memory_space<hbm>> -> memref<624x128xf32, #tpu.memory_space<hbm>>
      tpu.enqueue_dma source(%dma_start3A_22 : memref<624x128xf32, #tpu.memory_space<hbm>>) target(%dma_start3A_20 : memref<624x128xf32, #tpu.memory_space<vmem_shared>>) target_semaphore(%run_scoped3A : memref<!tpu.dma_semaphore, #tpu.memory_space<semaphore_mem>>)
      %dma_wait3A = arith.constant 0 : i32
      %dma_wait3A_23 = tpu.memref_slice %arg12[%mul3A_6, %dma_wait3A] : memref<10000x128xf32, #tpu.memory_space<vmem_shared>> -> memref<624x128xf32, #tpu.memory_space<vmem_shared>>
      %dma_wait3A_24 = arith.constant 0 : i32
      %dma_wait3A_25 = tpu.memref_slice %arg6[%mul3A_6, %dma_wait3A_24] : memref<10000x128xf32, #tpu.memory_space<hbm>> -> memref<624x128xf32, #tpu.memory_space<hbm>>
      tpu.wait_dma2 semaphore(%run_scoped3A : memref<!tpu.dma_semaphore, #tpu.memory_space<semaphore_mem>>) src(%dma_wait3A_25 : memref<624x128xf32, #tpu.memory_space<hbm>>) dst(%dma_wait3A_23 : memref<624x128xf32, #tpu.memory_space<vmem_shared>>)
      tpu.yield
    }) : () -> ()
    %eq3A = arith.constant 15 : i32
    %eq3A_7 = arith.cmpi eq, %arg1, %eq3A : i32
    %convert_element_type3A = arith.extui %eq3A_7 : i1 to i32
    %cond3A = arith.constant 0 : i32
    %cond3A_8 = arith.cmpi ne, %convert_element_type3A, %cond3A : i32
    scf.if %cond3A_8 {
      "tpu.region"() ({
        %run_scoped3A = tpu.sem_alloc : memref<!tpu.dma_semaphore, #tpu.memory_space<semaphore_mem>>
        %dma_start3A = arith.constant 9984 : i32
        %dma_start3A_20 = arith.constant 0 : i32
        %dma_start3A_21 = tpu.memref_slice %arg12[%dma_start3A, %dma_start3A_20] : memref<10000x128xf32, #tpu.memory_space<vmem_shared>> -> memref<16x128xf32, #tpu.memory_space<vmem_shared>>
        %dma_start3A_22 = arith.constant 9984 : i32
        %dma_start3A_23 = arith.constant 0 : i32
        %dma_start3A_24 = tpu.memref_slice %arg6[%dma_start3A_22, %dma_start3A_23] : memref<10000x128xf32, #tpu.memory_space<hbm>> -> memref<16x128xf32, #tpu.memory_space<hbm>>
        tpu.enqueue_dma source(%dma_start3A_24 : memref<16x128xf32, #tpu.memory_space<hbm>>) target(%dma_start3A_21 : memref<16x128xf32, #tpu.memory_space<vmem_shared>>) target_semaphore(%run_scoped3A : memref<!tpu.dma_semaphore, #tpu.memory_space<semaphore_mem>>)
        %dma_wait3A = arith.constant 9984 : i32
        %dma_wait3A_25 = arith.constant 0 : i32
        %dma_wait3A_26 = tpu.memref_slice %arg12[%dma_wait3A, %dma_wait3A_25] : memref<10000x128xf32, #tpu.memory_space<vmem_shared>> -> memref<16x128xf32, #tpu.memory_space<vmem_shared>>
        %dma_wait3A_27 = arith.constant 9984 : i32
        %dma_wait3A_28 = arith.constant 0 : i32
        %dma_wait3A_29 = tpu.memref_slice %arg6[%dma_wait3A_27, %dma_wait3A_28] : memref<10000x128xf32, #tpu.memory_space<hbm>> -> memref<16x128xf32, #tpu.memory_space<hbm>>
        tpu.wait_dma2 semaphore(%run_scoped3A : memref<!tpu.dma_semaphore, #tpu.memory_space<semaphore_mem>>) src(%dma_wait3A_29 : memref<16x128xf32, #tpu.memory_space<hbm>>) dst(%dma_wait3A_26 : memref<16x128xf32, #tpu.memory_space<vmem_shared>>)
        tpu.yield
      }) : () -> ()
    } else {
    }
    %barrier3A = arith.constant 0 : index
    tpu.barrier barrier_id(%barrier3A)
    %scan3A = arith.constant 0 : i32
    %scan3A_9 = arith.constant 0 : i32
    %scan3A_10 = arith.constant 80 : i32
    %scan3A_11 = arith.addi %scan3A_9, %scan3A_10 : i32
    %scan3A_12 = arith.constant 1 : i32
    scf.for %scan3A_20 = %scan3A_9 to %scan3A_11 step %scan3A_12  : i32 {
      %dma_start3A = arith.constant 0 : i32
      %dma_start3A_21 = tpu.memref_slice %arg8[%scan3A_20, %dma_start3A] : memref<80x128xi32, #tpu.memory_space<vmem>> -> memref<1x128xi32, #tpu.memory_space<vmem>>
      %dma_start3A_22 = tpu.memref_squeeze %dma_start3A_21 : memref<1x128xi32, #tpu.memory_space<vmem>> -> memref<128xi32, #tpu.memory_space<vmem>>
      %dma_start3A_23 = arith.constant 0 : i32
      %dma_start3A_24 = arith.constant 0 : i32
      %dma_start3A_25 = tpu.memref_slice %arg2[%dma_start3A_23, %dma_start3A_24] : memref<10000x128xf32, #tpu.memory_space<hbm>> -> memref<10000x128xf32, #tpu.memory_space<hbm>>
      tpu.enqueue_indirect_dma source(%dma_start3A_25 : memref<10000x128xf32, #tpu.memory_space<hbm>>) target(%arg11 : memref<128x128xf32, #tpu.memory_space<vmem>>) offsets(%dma_start3A_22 : memref<128xi32, #tpu.memory_space<vmem>>) semaphore(%arg13 : memref<!tpu.dma_semaphore, #tpu.memory_space<semaphore_mem>>)
      %dma_wait3A = arith.constant 0 : i32
      %dma_wait3A_26 = tpu.memref_slice %arg8[%scan3A_20, %dma_wait3A] : memref<80x128xi32, #tpu.memory_space<vmem>> -> memref<1x128xi32, #tpu.memory_space<vmem>>
      %dma_wait3A_27 = tpu.memref_squeeze %dma_wait3A_26 : memref<1x128xi32, #tpu.memory_space<vmem>> -> memref<128xi32, #tpu.memory_space<vmem>>
      %dma_wait3A_28 = arith.constant 0 : i32
      %dma_wait3A_29 = arith.constant 0 : i32
      %dma_wait3A_30 = tpu.memref_slice %arg2[%dma_wait3A_28, %dma_wait3A_29] : memref<10000x128xf32, #tpu.memory_space<hbm>> -> memref<10000x128xf32, #tpu.memory_space<hbm>>
      tpu.wait_indirect_dma semaphore(%arg13 : memref<!tpu.dma_semaphore, #tpu.memory_space<semaphore_mem>>) src(%dma_wait3A_30 : memref<10000x128xf32, #tpu.memory_space<hbm>>) dst(%arg11 : memref<128x128xf32, #tpu.memory_space<vmem>>)
      %scan3A_31 = arith.constant 0 : i32
      %scan3A_32 = arith.constant 0 : i32
      %scan3A_33 = arith.constant 128 : i32
      %scan3A_34 = arith.addi %scan3A_32, %scan3A_33 : i32
      %scan3A_35 = arith.constant 1 : i32
      scf.for %scan3A_37 = %scan3A_32 to %scan3A_34 step %scan3A_35  : i32 {
        %mul3A_38 = arith.constant 128 : i32
        %mul3A_39 = arith.muli %scan3A_20, %mul3A_38 : i32
        %broadcast_in_dim3A = vector.broadcast %mul3A_39 : i32 to vector<16xi32>
        %add3A_40 = vector.broadcast %scan3A_37 : i32 to vector<16xi32>
        %add3A_41 = arith.addi %broadcast_in_dim3A, %add3A_40 : vector<16xi32>
        %gather3A = tpu.vector_load_idx %arg10[%add3A_41] : memref<10240xf32, #tpu.memory_space<vmem>>[vector<16xi32>], vector<16xf32>,
        %get3A = arith.index_cast %scan3A_37 : i32 to index
        %get3A_42 = arith.constant 0 : index
        %get3A_43 = tpu.vector_load %arg11[%get3A, %get3A_42] {strides = array<i32>} : memref<128x128xf32, #tpu.memory_space<vmem>>, vector<16xf32>,
        %mul3A_44 = arith.mulf %get3A_43, %gather3A : vector<16xf32>
        %swap3A = arith.index_cast %scan3A_37 : i32 to index
        %swap3A_45 = arith.constant 0 : index
        %swap3A_46 = tpu.vector_load %arg11[%swap3A, %swap3A_45] {strides = array<i32>} : memref<128x128xf32, #tpu.memory_space<vmem>>, vector<16xf32>,
        tpu.vector_store %arg11[%swap3A, %swap3A_45], %mul3A_44 {strides = array<i32>} : memref<128x128xf32, #tpu.memory_space<vmem>>, vector<16xf32>,
        %get3A_47 = arith.index_cast %scan3A_37 : i32 to index
        %get3A_48 = arith.constant 16 : index
        %get3A_49 = tpu.vector_load %arg11[%get3A_47, %get3A_48] {strides = array<i32>} : memref<128x128xf32, #tpu.memory_space<vmem>>, vector<16xf32>,
        %mul3A_50 = arith.mulf %get3A_49, %gather3A : vector<16xf32>
        %swap3A_51 = arith.index_cast %scan3A_37 : i32 to index
        %swap3A_52 = arith.constant 16 : index
        %swap3A_53 = tpu.vector_load %arg11[%swap3A_51, %swap3A_52] {strides = array<i32>} : memref<128x128xf32, #tpu.memory_space<vmem>>, vector<16xf32>,
        tpu.vector_store %arg11[%swap3A_51, %swap3A_52], %mul3A_50 {strides = array<i32>} : memref<128x128xf32, #tpu.memory_space<vmem>>, vector<16xf32>,
        %get3A_54 = arith.index_cast %scan3A_37 : i32 to index
        %get3A_55 = arith.constant 32 : index
        %get3A_56 = tpu.vector_load %arg11[%get3A_54, %get3A_55] {strides = array<i32>} : memref<128x128xf32, #tpu.memory_space<vmem>>, vector<16xf32>,
        %mul3A_57 = arith.mulf %get3A_56, %gather3A : vector<16xf32>
        %swap3A_58 = arith.index_cast %scan3A_37 : i32 to index
        %swap3A_59 = arith.constant 32 : index
        %swap3A_60 = tpu.vector_load %arg11[%swap3A_58, %swap3A_59] {strides = array<i32>} : memref<128x128xf32, #tpu.memory_space<vmem>>, vector<16xf32>,
        tpu.vector_store %arg11[%swap3A_58, %swap3A_59], %mul3A_57 {strides = array<i32>} : memref<128x128xf32, #tpu.memory_space<vmem>>, vector<16xf32>,
        %get3A_61 = arith.index_cast %scan3A_37 : i32 to index
        %get3A_62 = arith.constant 48 : index
        %get3A_63 = tpu.vector_load %arg11[%get3A_61, %get3A_62] {strides = array<i32>} : memref<128x128xf32, #tpu.memory_space<vmem>>, vector<16xf32>,
        %mul3A_64 = arith.mulf %get3A_63, %gather3A : vector<16xf32>
        %swap3A_65 = arith.index_cast %scan3A_37 : i32 to index
        %swap3A_66 = arith.constant 48 : index
        %swap3A_67 = tpu.vector_load %arg11[%swap3A_65, %swap3A_66] {strides = array<i32>} : memref<128x128xf32, #tpu.memory_space<vmem>>, vector<16xf32>,
        tpu.vector_store %arg11[%swap3A_65, %swap3A_66], %mul3A_64 {strides = array<i32>} : memref<128x128xf32, #tpu.memory_space<vmem>>, vector<16xf32>,
        %get3A_68 = arith.index_cast %scan3A_37 : i32 to index
        %get3A_69 = arith.constant 64 : index
        %get3A_70 = tpu.vector_load %arg11[%get3A_68, %get3A_69] {strides = array<i32>} : memref<128x128xf32, #tpu.memory_space<vmem>>, vector<16xf32>,
        %mul3A_71 = arith.mulf %get3A_70, %gather3A : vector<16xf32>
        %swap3A_72 = arith.index_cast %scan3A_37 : i32 to index
        %swap3A_73 = arith.constant 64 : index
        %swap3A_74 = tpu.vector_load %arg11[%swap3A_72, %swap3A_73] {strides = array<i32>} : memref<128x128xf32, #tpu.memory_space<vmem>>, vector<16xf32>,
        tpu.vector_store %arg11[%swap3A_72, %swap3A_73], %mul3A_71 {strides = array<i32>} : memref<128x128xf32, #tpu.memory_space<vmem>>, vector<16xf32>,
        %get3A_75 = arith.index_cast %scan3A_37 : i32 to index
        %get3A_76 = arith.constant 80 : index
        %get3A_77 = tpu.vector_load %arg11[%get3A_75, %get3A_76] {strides = array<i32>} : memref<128x128xf32, #tpu.memory_space<vmem>>, vector<16xf32>,
        %mul3A_78 = arith.mulf %get3A_77, %gather3A : vector<16xf32>
        %swap3A_79 = arith.index_cast %scan3A_37 : i32 to index
        %swap3A_80 = arith.constant 80 : index
        %swap3A_81 = tpu.vector_load %arg11[%swap3A_79, %swap3A_80] {strides = array<i32>} : memref<128x128xf32, #tpu.memory_space<vmem>>, vector<16xf32>,
        tpu.vector_store %arg11[%swap3A_79, %swap3A_80], %mul3A_78 {strides = array<i32>} : memref<128x128xf32, #tpu.memory_space<vmem>>, vector<16xf32>,
        %get3A_82 = arith.index_cast %scan3A_37 : i32 to index
        %get3A_83 = arith.constant 96 : index
        %get3A_84 = tpu.vector_load %arg11[%get3A_82, %get3A_83] {strides = array<i32>} : memref<128x128xf32, #tpu.memory_space<vmem>>, vector<16xf32>,
        %mul3A_85 = arith.mulf %get3A_84, %gather3A : vector<16xf32>
        %swap3A_86 = arith.index_cast %scan3A_37 : i32 to index
        %swap3A_87 = arith.constant 96 : index
        %swap3A_88 = tpu.vector_load %arg11[%swap3A_86, %swap3A_87] {strides = array<i32>} : memref<128x128xf32, #tpu.memory_space<vmem>>, vector<16xf32>,
        tpu.vector_store %arg11[%swap3A_86, %swap3A_87], %mul3A_85 {strides = array<i32>} : memref<128x128xf32, #tpu.memory_space<vmem>>, vector<16xf32>,
        %get3A_89 = arith.index_cast %scan3A_37 : i32 to index
        %get3A_90 = arith.constant 112 : index
        %get3A_91 = tpu.vector_load %arg11[%get3A_89, %get3A_90] {strides = array<i32>} : memref<128x128xf32, #tpu.memory_space<vmem>>, vector<16xf32>,
        %mul3A_92 = arith.mulf %get3A_91, %gather3A : vector<16xf32>
        %swap3A_93 = arith.index_cast %scan3A_37 : i32 to index
        %swap3A_94 = arith.constant 112 : index
        %swap3A_95 = tpu.vector_load %arg11[%swap3A_93, %swap3A_94] {strides = array<i32>} : memref<128x128xf32, #tpu.memory_space<vmem>>, vector<16xf32>,
        tpu.vector_store %arg11[%swap3A_93, %swap3A_94], %mul3A_92 {strides = array<i32>} : memref<128x128xf32, #tpu.memory_space<vmem>>, vector<16xf32>,
      }
      %scan3A_36 = arith.constant 128 : i32
      "tpu.region"() ({
        %run_scoped3A = tpu.sem_alloc : memref<!tpu.dma_semaphore, #tpu.memory_space<semaphore_mem>>
        %dma_start3A_37 = arith.constant 0 : i32
        %dma_start3A_38 = tpu.memref_slice %arg9[%scan3A_20, %dma_start3A_37] : memref<80x128xi32, #tpu.memory_space<vmem>> -> memref<1x128xi32, #tpu.memory_space<vmem>>
        %dma_start3A_39 = tpu.memref_squeeze %dma_start3A_38 : memref<1x128xi32, #tpu.memory_space<vmem>> -> memref<128xi32, #tpu.memory_space<vmem>>
        %dma_start3A_40 = arith.constant 0 : i32
        %dma_start3A_41 = arith.constant 0 : i32
        %dma_start3A_42 = tpu.memref_slice %arg12[%dma_start3A_40, %dma_start3A_41] : memref<10000x128xf32, #tpu.memory_space<vmem_shared>> -> memref<10000x128xf32, #tpu.memory_space<vmem_shared>>
        tpu.enqueue_indirect_dma source(%arg11 : memref<128x128xf32, #tpu.memory_space<vmem>>) target(%dma_start3A_42 : memref<10000x128xf32, #tpu.memory_space<vmem_shared>>) offsets(%dma_start3A_39 : memref<128xi32, #tpu.memory_space<vmem>>) semaphore(%run_scoped3A : memref<!tpu.dma_semaphore, #tpu.memory_space<semaphore_mem>>) {add = true}
        %dma_wait3A_43 = arith.constant 0 : i32
        %dma_wait3A_44 = tpu.memref_slice %arg9[%scan3A_20, %dma_wait3A_43] : memref<80x128xi32, #tpu.memory_space<vmem>> -> memref<1x128xi32, #tpu.memory_space<vmem>>
        %dma_wait3A_45 = tpu.memref_squeeze %dma_wait3A_44 : memref<1x128xi32, #tpu.memory_space<vmem>> -> memref<128xi32, #tpu.memory_space<vmem>>
        %dma_wait3A_46 = arith.constant 0 : i32
        %dma_wait3A_47 = arith.constant 0 : i32
        %dma_wait3A_48 = tpu.memref_slice %arg12[%dma_wait3A_46, %dma_wait3A_47] : memref<10000x128xf32, #tpu.memory_space<vmem_shared>> -> memref<10000x128xf32, #tpu.memory_space<vmem_shared>>
        tpu.wait_indirect_dma semaphore(%run_scoped3A : memref<!tpu.dma_semaphore, #tpu.memory_space<semaphore_mem>>) src(%arg11 : memref<128x128xf32, #tpu.memory_space<vmem>>) dst(%dma_wait3A_48 : memref<10000x128xf32, #tpu.memory_space<vmem_shared>>)
        tpu.yield
      }) : () -> ()
    }
    %scan3A_13 = arith.constant 80 : i32
    %barrier3A_14 = arith.constant 0 : index
    tpu.barrier barrier_id(%barrier3A_14)
    "tpu.region"() ({
      %run_scoped3A = tpu.sem_alloc : memref<!tpu.dma_semaphore, #tpu.memory_space<semaphore_mem>>
      %dma_start3A = arith.constant 0 : i32
      %dma_start3A_20 = tpu.memref_slice %arg7[%arg0, %mul3A_6, %dma_start3A] : memref<2x10000x128xf32, #tpu.memory_space<hbm>> -> memref<1x624x128xf32, #tpu.memory_space<hbm>>
      %dma_start3A_21 = tpu.memref_squeeze %dma_start3A_20 : memref<1x624x128xf32, #tpu.memory_space<hbm>> -> memref<624x128xf32, #tpu.memory_space<hbm>>
      %dma_start3A_22 = arith.constant 0 : i32
      %dma_start3A_23 = tpu.memref_slice %arg12[%mul3A_6, %dma_start3A_22] : memref<10000x128xf32, #tpu.memory_space<vmem_shared>> -> memref<624x128xf32, #tpu.memory_space<vmem_shared>>
      tpu.enqueue_dma source(%dma_start3A_23 : memref<624x128xf32, #tpu.memory_space<vmem_shared>>) target(%dma_start3A_21 : memref<624x128xf32, #tpu.memory_space<hbm>>) target_semaphore(%run_scoped3A : memref<!tpu.dma_semaphore, #tpu.memory_space<semaphore_mem>>)
      %dma_wait3A = arith.constant 0 : i32
      %dma_wait3A_24 = tpu.memref_slice %arg7[%arg0, %mul3A_6, %dma_wait3A] : memref<2x10000x128xf32, #tpu.memory_space<hbm>> -> memref<1x624x128xf32, #tpu.memory_space<hbm>>
      %dma_wait3A_25 = tpu.memref_squeeze %dma_wait3A_24 : memref<1x624x128xf32, #tpu.memory_space<hbm>> -> memref<624x128xf32, #tpu.memory_space<hbm>>
      %dma_wait3A_26 = arith.constant 0 : i32
      %dma_wait3A_27 = tpu.memref_slice %arg12[%mul3A_6, %dma_wait3A_26] : memref<10000x128xf32, #tpu.memory_space<vmem_shared>> -> memref<624x128xf32, #tpu.memory_space<vmem_shared>>
      tpu.wait_dma2 semaphore(%run_scoped3A : memref<!tpu.dma_semaphore, #tpu.memory_space<semaphore_mem>>) src(%dma_wait3A_27 : memref<624x128xf32, #tpu.memory_space<vmem_shared>>) dst(%dma_wait3A_25 : memref<624x128xf32, #tpu.memory_space<hbm>>)
      tpu.yield
    }) : () -> ()
    %eq3A_15 = arith.constant 15 : i32
    %eq3A_16 = arith.cmpi eq, %arg1, %eq3A_15 : i32
    %convert_element_type3A_17 = arith.extui %eq3A_16 : i1 to i32
    %cond3A_18 = arith.constant 0 : i32
    %cond3A_19 = arith.cmpi ne, %convert_element_type3A_17, %cond3A_18 : i32
    scf.if %cond3A_19 {
      "tpu.region"() ({
        %run_scoped3A = tpu.sem_alloc : memref<!tpu.dma_semaphore, #tpu.memory_space<semaphore_mem>>
        %dma_start3A = arith.constant 9984 : i32
        %dma_start3A_20 = arith.constant 0 : i32
        %dma_start3A_21 = tpu.memref_slice %arg7[%arg0, %dma_start3A, %dma_start3A_20] : memref<2x10000x128xf32, #tpu.memory_space<hbm>> -> memref<1x16x128xf32, #tpu.memory_space<hbm>>
        %dma_start3A_22 = tpu.memref_squeeze %dma_start3A_21 : memref<1x16x128xf32, #tpu.memory_space<hbm>> -> memref<16x128xf32, #tpu.memory_space<hbm>>
        %dma_start3A_23 = arith.constant 9984 : i32
        %dma_start3A_24 = arith.constant 0 : i32
        %dma_start3A_25 = tpu.memref_slice %arg12[%dma_start3A_23, %dma_start3A_24] : memref<10000x128xf32, #tpu.memory_space<vmem_shared>> -> memref<16x128xf32, #tpu.memory_space<vmem_shared>>
        tpu.enqueue_dma source(%dma_start3A_25 : memref<16x128xf32, #tpu.memory_space<vmem_shared>>) target(%dma_start3A_22 : memref<16x128xf32, #tpu.memory_space<hbm>>) target_semaphore(%run_scoped3A : memref<!tpu.dma_semaphore, #tpu.memory_space<semaphore_mem>>)
        %dma_wait3A = arith.constant 9984 : i32
        %dma_wait3A_26 = arith.constant 0 : i32
        %dma_wait3A_27 = tpu.memref_slice %arg7[%arg0, %dma_wait3A, %dma_wait3A_26] : memref<2x10000x128xf32, #tpu.memory_space<hbm>> -> memref<1x16x128xf32, #tpu.memory_space<hbm>>
        %dma_wait3A_28 = tpu.memref_squeeze %dma_wait3A_27 : memref<1x16x128xf32, #tpu.memory_space<hbm>> -> memref<16x128xf32, #tpu.memory_space<hbm>>
        %dma_wait3A_29 = arith.constant 9984 : i32
        %dma_wait3A_30 = arith.constant 0 : i32
        %dma_wait3A_31 = tpu.memref_slice %arg12[%dma_wait3A_29, %dma_wait3A_30] : memref<10000x128xf32, #tpu.memory_space<vmem_shared>> -> memref<16x128xf32, #tpu.memory_space<vmem_shared>>
        tpu.wait_dma2 semaphore(%run_scoped3A : memref<!tpu.dma_semaphore, #tpu.memory_space<semaphore_mem>>) src(%dma_wait3A_31 : memref<16x128xf32, #tpu.memory_space<vmem_shared>>) dst(%dma_wait3A_28 : memref<16x128xf32, #tpu.memory_space<hbm>>)
        tpu.yield
      }) : () -> ()
    } else {
    }
    return
  }
}

#map = affine_map<(d0, d1) -> (0, 0)>
#map1 = affine_map<(d0, d1) -> (0)>
#map2 = affine_map<(d0, d1) -> (0, 0, 0)>
module attributes {stable_mosaic.version = 14 : i64} {
  func.func @_sc_agg_body(%arg0: i32, %arg1: i32, %arg2: memref<10000x128xf32, #tpu.memory_space<hbm>>, %arg3: memref<2560x128xi32, #tpu.memory_space<hbm>>, %arg4: memref<2560x128xi32, #tpu.memory_space<hbm>>, %arg5: memref<327680xf32, #tpu.memory_space<hbm>>, %arg6: memref<10000x128xf32, #tpu.memory_space<hbm>>, %arg7: memref<2x10000x128xf32, #tpu.memory_space<hbm>>, %arg8: memref<80x128xi32, #tpu.memory_space<vmem>>, %arg9: memref<80x128xi32, #tpu.memory_space<vmem>>, %arg10: memref<10240xf32, #tpu.memory_space<vmem>>, %arg11: memref<128x128xf32, #tpu.memory_space<vmem>>, %arg12: memref<10000x128xf32, #tpu.memory_space<vmem_shared>>, %arg13: memref<!tpu.dma_semaphore, #tpu.memory_space<semaphore_mem>>) attributes {dimension_semantics = [#tpu.dimension_semantics<core_parallel>, #tpu.dimension_semantics<subcore_parallel>], iteration_bounds = array<i64: 2, 16>, scalar_prefetch = 0 : i64, scratch_operands = 6 : i64, tpu.core_type = #tpu.core_type<sc_vector_subcore>, window_params = [{transform_indices = #map}, {transform_indices = #map}, {transform_indices = #map}, {transform_indices = #map1}, {transform_indices = #map}, {transform_indices = #map2}]} {
    %mul3A = arith.constant 2 : i32
    %mul3A_0 = arith.muli %arg1, %mul3A : i32
    %add3A = arith.addi %mul3A_0, %arg0 : i32
    %mul3A_1 = arith.constant 80 : i32
    %mul3A_2 = arith.muli %add3A, %mul3A_1 : i32
    "tpu.region"() ({
      %run_scoped3A = tpu.sem_alloc : memref<!tpu.dma_semaphore, #tpu.memory_space<semaphore_mem>>
      %dma_start3A = arith.constant 0 : i32
      %dma_start3A_20 = tpu.memref_slice %arg3[%mul3A_2, %dma_start3A] : memref<2560x128xi32, #tpu.memory_space<hbm>> -> memref<80x128xi32, #tpu.memory_space<hbm>>
      %dma_start3A_21 = arith.constant 0 : i32
      %dma_start3A_22 = tpu.memref_slice %arg3[%mul3A_2, %dma_start3A_21] : memref<2560x128xi32, #tpu.memory_space<hbm>> -> memref<80x128xi32, #tpu.memory_space<hbm>>
      tpu.enqueue_dma source(%dma_start3A_22 : memref<80x128xi32, #tpu.memory_space<hbm>>) target(%arg8 : memref<80x128xi32, #tpu.memory_space<vmem>>) target_semaphore(%run_scoped3A : memref<!tpu.dma_semaphore, #tpu.memory_space<semaphore_mem>>)
      %dma_wait3A = arith.constant 0 : i32
      %dma_wait3A_23 = tpu.memref_slice %arg3[%mul3A_2, %dma_wait3A] : memref<2560x128xi32, #tpu.memory_space<hbm>> -> memref<80x128xi32, #tpu.memory_space<hbm>>
      %dma_wait3A_24 = arith.constant 0 : i32
      %dma_wait3A_25 = tpu.memref_slice %arg3[%mul3A_2, %dma_wait3A_24] : memref<2560x128xi32, #tpu.memory_space<hbm>> -> memref<80x128xi32, #tpu.memory_space<hbm>>
      tpu.wait_dma2 semaphore(%run_scoped3A : memref<!tpu.dma_semaphore, #tpu.memory_space<semaphore_mem>>) src(%dma_wait3A_25 : memref<80x128xi32, #tpu.memory_space<hbm>>) dst(%arg8 : memref<80x128xi32, #tpu.memory_space<vmem>>)
      tpu.yield
    }) : () -> ()
    "tpu.region"() ({
      %run_scoped3A = tpu.sem_alloc : memref<!tpu.dma_semaphore, #tpu.memory_space<semaphore_mem>>
      %dma_start3A = arith.constant 0 : i32
      %dma_start3A_20 = tpu.memref_slice %arg4[%mul3A_2, %dma_start3A] : memref<2560x128xi32, #tpu.memory_space<hbm>> -> memref<80x128xi32, #tpu.memory_space<hbm>>
      %dma_start3A_21 = arith.constant 0 : i32
      %dma_start3A_22 = tpu.memref_slice %arg4[%mul3A_2, %dma_start3A_21] : memref<2560x128xi32, #tpu.memory_space<hbm>> -> memref<80x128xi32, #tpu.memory_space<hbm>>
      tpu.enqueue_dma source(%dma_start3A_22 : memref<80x128xi32, #tpu.memory_space<hbm>>) target(%arg9 : memref<80x128xi32, #tpu.memory_space<vmem>>) target_semaphore(%run_scoped3A : memref<!tpu.dma_semaphore, #tpu.memory_space<semaphore_mem>>)
      %dma_wait3A = arith.constant 0 : i32
      %dma_wait3A_23 = tpu.memref_slice %arg4[%mul3A_2, %dma_wait3A] : memref<2560x128xi32, #tpu.memory_space<hbm>> -> memref<80x128xi32, #tpu.memory_space<hbm>>
      %dma_wait3A_24 = arith.constant 0 : i32
      %dma_wait3A_25 = tpu.memref_slice %arg4[%mul3A_2, %dma_wait3A_24] : memref<2560x128xi32, #tpu.memory_space<hbm>> -> memref<80x128xi32, #tpu.memory_space<hbm>>
      tpu.wait_dma2 semaphore(%run_scoped3A : memref<!tpu.dma_semaphore, #tpu.memory_space<semaphore_mem>>) src(%dma_wait3A_25 : memref<80x128xi32, #tpu.memory_space<hbm>>) dst(%arg9 : memref<80x128xi32, #tpu.memory_space<vmem>>)
      tpu.yield
    }) : () -> ()
    %mul3A_3 = arith.constant 128 : i32
    %mul3A_4 = arith.muli %mul3A_2, %mul3A_3 : i32
    "tpu.region"() ({
      %run_scoped3A = tpu.sem_alloc : memref<!tpu.dma_semaphore, #tpu.memory_space<semaphore_mem>>
      %dma_start3A = tpu.memref_slice %arg5[%mul3A_4] : memref<327680xf32, #tpu.memory_space<hbm>> -> memref<10240xf32, #tpu.memory_space<hbm>>
      %dma_start3A_20 = tpu.memref_slice %arg5[%mul3A_4] : memref<327680xf32, #tpu.memory_space<hbm>> -> memref<10240xf32, #tpu.memory_space<hbm>>
      tpu.enqueue_dma source(%dma_start3A_20 : memref<10240xf32, #tpu.memory_space<hbm>>) target(%arg10 : memref<10240xf32, #tpu.memory_space<vmem>>) target_semaphore(%run_scoped3A : memref<!tpu.dma_semaphore, #tpu.memory_space<semaphore_mem>>)
      %dma_wait3A = tpu.memref_slice %arg5[%mul3A_4] : memref<327680xf32, #tpu.memory_space<hbm>> -> memref<10240xf32, #tpu.memory_space<hbm>>
      %dma_wait3A_21 = tpu.memref_slice %arg5[%mul3A_4] : memref<327680xf32, #tpu.memory_space<hbm>> -> memref<10240xf32, #tpu.memory_space<hbm>>
      tpu.wait_dma2 semaphore(%run_scoped3A : memref<!tpu.dma_semaphore, #tpu.memory_space<semaphore_mem>>) src(%dma_wait3A_21 : memref<10240xf32, #tpu.memory_space<hbm>>) dst(%arg10 : memref<10240xf32, #tpu.memory_space<vmem>>)
      tpu.yield
    }) : () -> ()
    %mul3A_5 = arith.constant 624 : i32
    %mul3A_6 = arith.muli %arg1, %mul3A_5 : i32
    "tpu.region"() ({
      %run_scoped3A = tpu.sem_alloc : memref<!tpu.dma_semaphore, #tpu.memory_space<semaphore_mem>>
      %dma_start3A = arith.constant 0 : i32
      %dma_start3A_20 = tpu.memref_slice %arg12[%mul3A_6, %dma_start3A] : memref<10000x128xf32, #tpu.memory_space<vmem_shared>> -> memref<624x128xf32, #tpu.memory_space<vmem_shared>>
      %dma_start3A_21 = arith.constant 0 : i32
      %dma_start3A_22 = tpu.memref_slice %arg6[%mul3A_6, %dma_start3A_21] : memref<10000x128xf32, #tpu.memory_space<hbm>> -> memref<624x128xf32, #tpu.memory_space<hbm>>
      tpu.enqueue_dma source(%dma_start3A_22 : memref<624x128xf32, #tpu.memory_space<hbm>>) target(%dma_start3A_20 : memref<624x128xf32, #tpu.memory_space<vmem_shared>>) target_semaphore(%run_scoped3A : memref<!tpu.dma_semaphore, #tpu.memory_space<semaphore_mem>>)
      %dma_wait3A = arith.constant 0 : i32
      %dma_wait3A_23 = tpu.memref_slice %arg12[%mul3A_6, %dma_wait3A] : memref<10000x128xf32, #tpu.memory_space<vmem_shared>> -> memref<624x128xf32, #tpu.memory_space<vmem_shared>>
      %dma_wait3A_24 = arith.constant 0 : i32
      %dma_wait3A_25 = tpu.memref_slice %arg6[%mul3A_6, %dma_wait3A_24] : memref<10000x128xf32, #tpu.memory_space<hbm>> -> memref<624x128xf32, #tpu.memory_space<hbm>>
      tpu.wait_dma2 semaphore(%run_scoped3A : memref<!tpu.dma_semaphore, #tpu.memory_space<semaphore_mem>>) src(%dma_wait3A_25 : memref<624x128xf32, #tpu.memory_space<hbm>>) dst(%dma_wait3A_23 : memref<624x128xf32, #tpu.memory_space<vmem_shared>>)
      tpu.yield
    }) : () -> ()
    %eq3A = arith.constant 15 : i32
    %eq3A_7 = arith.cmpi eq, %arg1, %eq3A : i32
    %convert_element_type3A = arith.extui %eq3A_7 : i1 to i32
    %cond3A = arith.constant 0 : i32
    %cond3A_8 = arith.cmpi ne, %convert_element_type3A, %cond3A : i32
    scf.if %cond3A_8 {
      "tpu.region"() ({
        %run_scoped3A = tpu.sem_alloc : memref<!tpu.dma_semaphore, #tpu.memory_space<semaphore_mem>>
        %dma_start3A = arith.constant 9984 : i32
        %dma_start3A_20 = arith.constant 0 : i32
        %dma_start3A_21 = tpu.memref_slice %arg12[%dma_start3A, %dma_start3A_20] : memref<10000x128xf32, #tpu.memory_space<vmem_shared>> -> memref<16x128xf32, #tpu.memory_space<vmem_shared>>
        %dma_start3A_22 = arith.constant 9984 : i32
        %dma_start3A_23 = arith.constant 0 : i32
        %dma_start3A_24 = tpu.memref_slice %arg6[%dma_start3A_22, %dma_start3A_23] : memref<10000x128xf32, #tpu.memory_space<hbm>> -> memref<16x128xf32, #tpu.memory_space<hbm>>
        tpu.enqueue_dma source(%dma_start3A_24 : memref<16x128xf32, #tpu.memory_space<hbm>>) target(%dma_start3A_21 : memref<16x128xf32, #tpu.memory_space<vmem_shared>>) target_semaphore(%run_scoped3A : memref<!tpu.dma_semaphore, #tpu.memory_space<semaphore_mem>>)
        %dma_wait3A = arith.constant 9984 : i32
        %dma_wait3A_25 = arith.constant 0 : i32
        %dma_wait3A_26 = tpu.memref_slice %arg12[%dma_wait3A, %dma_wait3A_25] : memref<10000x128xf32, #tpu.memory_space<vmem_shared>> -> memref<16x128xf32, #tpu.memory_space<vmem_shared>>
        %dma_wait3A_27 = arith.constant 9984 : i32
        %dma_wait3A_28 = arith.constant 0 : i32
        %dma_wait3A_29 = tpu.memref_slice %arg6[%dma_wait3A_27, %dma_wait3A_28] : memref<10000x128xf32, #tpu.memory_space<hbm>> -> memref<16x128xf32, #tpu.memory_space<hbm>>
        tpu.wait_dma2 semaphore(%run_scoped3A : memref<!tpu.dma_semaphore, #tpu.memory_space<semaphore_mem>>) src(%dma_wait3A_29 : memref<16x128xf32, #tpu.memory_space<hbm>>) dst(%dma_wait3A_26 : memref<16x128xf32, #tpu.memory_space<vmem_shared>>)
        tpu.yield
      }) : () -> ()
    } else {
    }
    %barrier3A = arith.constant 0 : index
    tpu.barrier barrier_id(%barrier3A)
    %scan3A = arith.constant 0 : i32
    %scan3A_9 = arith.constant 0 : i32
    %scan3A_10 = arith.constant 80 : i32
    %scan3A_11 = arith.addi %scan3A_9, %scan3A_10 : i32
    %scan3A_12 = arith.constant 1 : i32
    scf.for %scan3A_20 = %scan3A_9 to %scan3A_11 step %scan3A_12  : i32 {
      %dma_start3A = arith.constant 0 : i32
      %dma_start3A_21 = tpu.memref_slice %arg8[%scan3A_20, %dma_start3A] : memref<80x128xi32, #tpu.memory_space<vmem>> -> memref<1x128xi32, #tpu.memory_space<vmem>>
      %dma_start3A_22 = tpu.memref_squeeze %dma_start3A_21 : memref<1x128xi32, #tpu.memory_space<vmem>> -> memref<128xi32, #tpu.memory_space<vmem>>
      %dma_start3A_23 = arith.constant 0 : i32
      %dma_start3A_24 = arith.constant 0 : i32
      %dma_start3A_25 = tpu.memref_slice %arg2[%dma_start3A_23, %dma_start3A_24] : memref<10000x128xf32, #tpu.memory_space<hbm>> -> memref<10000x128xf32, #tpu.memory_space<hbm>>
      tpu.enqueue_indirect_dma source(%dma_start3A_25 : memref<10000x128xf32, #tpu.memory_space<hbm>>) target(%arg11 : memref<128x128xf32, #tpu.memory_space<vmem>>) offsets(%dma_start3A_22 : memref<128xi32, #tpu.memory_space<vmem>>) semaphore(%arg13 : memref<!tpu.dma_semaphore, #tpu.memory_space<semaphore_mem>>)
      %dma_wait3A = arith.constant 0 : i32
      %dma_wait3A_26 = tpu.memref_slice %arg8[%scan3A_20, %dma_wait3A] : memref<80x128xi32, #tpu.memory_space<vmem>> -> memref<1x128xi32, #tpu.memory_space<vmem>>
      %dma_wait3A_27 = tpu.memref_squeeze %dma_wait3A_26 : memref<1x128xi32, #tpu.memory_space<vmem>> -> memref<128xi32, #tpu.memory_space<vmem>>
      %dma_wait3A_28 = arith.constant 0 : i32
      %dma_wait3A_29 = arith.constant 0 : i32
      %dma_wait3A_30 = tpu.memref_slice %arg2[%dma_wait3A_28, %dma_wait3A_29] : memref<10000x128xf32, #tpu.memory_space<hbm>> -> memref<10000x128xf32, #tpu.memory_space<hbm>>
      tpu.wait_indirect_dma semaphore(%arg13 : memref<!tpu.dma_semaphore, #tpu.memory_space<semaphore_mem>>) src(%dma_wait3A_30 : memref<10000x128xf32, #tpu.memory_space<hbm>>) dst(%arg11 : memref<128x128xf32, #tpu.memory_space<vmem>>)
      %scan3A_31 = arith.constant 0 : i32
      %scan3A_32 = arith.constant 0 : i32
      %scan3A_33 = arith.constant 128 : i32
      %scan3A_34 = arith.addi %scan3A_32, %scan3A_33 : i32
      %scan3A_35 = arith.constant 1 : i32
      scf.for %scan3A_37 = %scan3A_32 to %scan3A_34 step %scan3A_35  : i32 {
        %mul3A_38 = arith.constant 128 : i32
        %mul3A_39 = arith.muli %scan3A_20, %mul3A_38 : i32
        %broadcast_in_dim3A = vector.broadcast %mul3A_39 : i32 to vector<16xi32>
        %add3A_40 = vector.broadcast %scan3A_37 : i32 to vector<16xi32>
        %add3A_41 = arith.addi %broadcast_in_dim3A, %add3A_40 : vector<16xi32>
        %gather3A = tpu.vector_load_idx %arg10[%add3A_41] : memref<10240xf32, #tpu.memory_space<vmem>>[vector<16xi32>], vector<16xf32>,
        %get3A = arith.index_cast %scan3A_37 : i32 to index
        %get3A_42 = arith.constant 0 : index
        %get3A_43 = tpu.vector_load %arg11[%get3A, %get3A_42] {strides = array<i32>} : memref<128x128xf32, #tpu.memory_space<vmem>>, vector<16xf32>,
        %mul3A_44 = arith.mulf %get3A_43, %gather3A : vector<16xf32>
        %swap3A = arith.index_cast %scan3A_37 : i32 to index
        %swap3A_45 = arith.constant 0 : index
        %swap3A_46 = tpu.vector_load %arg11[%swap3A, %swap3A_45] {strides = array<i32>} : memref<128x128xf32, #tpu.memory_space<vmem>>, vector<16xf32>,
        tpu.vector_store %arg11[%swap3A, %swap3A_45], %mul3A_44 {strides = array<i32>} : memref<128x128xf32, #tpu.memory_space<vmem>>, vector<16xf32>,
        %get3A_47 = arith.index_cast %scan3A_37 : i32 to index
        %get3A_48 = arith.constant 16 : index
        %get3A_49 = tpu.vector_load %arg11[%get3A_47, %get3A_48] {strides = array<i32>} : memref<128x128xf32, #tpu.memory_space<vmem>>, vector<16xf32>,
        %mul3A_50 = arith.mulf %get3A_49, %gather3A : vector<16xf32>
        %swap3A_51 = arith.index_cast %scan3A_37 : i32 to index
        %swap3A_52 = arith.constant 16 : index
        %swap3A_53 = tpu.vector_load %arg11[%swap3A_51, %swap3A_52] {strides = array<i32>} : memref<128x128xf32, #tpu.memory_space<vmem>>, vector<16xf32>,
        tpu.vector_store %arg11[%swap3A_51, %swap3A_52], %mul3A_50 {strides = array<i32>} : memref<128x128xf32, #tpu.memory_space<vmem>>, vector<16xf32>,
        %get3A_54 = arith.index_cast %scan3A_37 : i32 to index
        %get3A_55 = arith.constant 32 : index
        %get3A_56 = tpu.vector_load %arg11[%get3A_54, %get3A_55] {strides = array<i32>} : memref<128x128xf32, #tpu.memory_space<vmem>>, vector<16xf32>,
        %mul3A_57 = arith.mulf %get3A_56, %gather3A : vector<16xf32>
        %swap3A_58 = arith.index_cast %scan3A_37 : i32 to index
        %swap3A_59 = arith.constant 32 : index
        %swap3A_60 = tpu.vector_load %arg11[%swap3A_58, %swap3A_59] {strides = array<i32>} : memref<128x128xf32, #tpu.memory_space<vmem>>, vector<16xf32>,
        tpu.vector_store %arg11[%swap3A_58, %swap3A_59], %mul3A_57 {strides = array<i32>} : memref<128x128xf32, #tpu.memory_space<vmem>>, vector<16xf32>,
        %get3A_61 = arith.index_cast %scan3A_37 : i32 to index
        %get3A_62 = arith.constant 48 : index
        %get3A_63 = tpu.vector_load %arg11[%get3A_61, %get3A_62] {strides = array<i32>} : memref<128x128xf32, #tpu.memory_space<vmem>>, vector<16xf32>,
        %mul3A_64 = arith.mulf %get3A_63, %gather3A : vector<16xf32>
        %swap3A_65 = arith.index_cast %scan3A_37 : i32 to index
        %swap3A_66 = arith.constant 48 : index
        %swap3A_67 = tpu.vector_load %arg11[%swap3A_65, %swap3A_66] {strides = array<i32>} : memref<128x128xf32, #tpu.memory_space<vmem>>, vector<16xf32>,
        tpu.vector_store %arg11[%swap3A_65, %swap3A_66], %mul3A_64 {strides = array<i32>} : memref<128x128xf32, #tpu.memory_space<vmem>>, vector<16xf32>,
        %get3A_68 = arith.index_cast %scan3A_37 : i32 to index
        %get3A_69 = arith.constant 64 : index
        %get3A_70 = tpu.vector_load %arg11[%get3A_68, %get3A_69] {strides = array<i32>} : memref<128x128xf32, #tpu.memory_space<vmem>>, vector<16xf32>,
        %mul3A_71 = arith.mulf %get3A_70, %gather3A : vector<16xf32>
        %swap3A_72 = arith.index_cast %scan3A_37 : i32 to index
        %swap3A_73 = arith.constant 64 : index
        %swap3A_74 = tpu.vector_load %arg11[%swap3A_72, %swap3A_73] {strides = array<i32>} : memref<128x128xf32, #tpu.memory_space<vmem>>, vector<16xf32>,
        tpu.vector_store %arg11[%swap3A_72, %swap3A_73], %mul3A_71 {strides = array<i32>} : memref<128x128xf32, #tpu.memory_space<vmem>>, vector<16xf32>,
        %get3A_75 = arith.index_cast %scan3A_37 : i32 to index
        %get3A_76 = arith.constant 80 : index
        %get3A_77 = tpu.vector_load %arg11[%get3A_75, %get3A_76] {strides = array<i32>} : memref<128x128xf32, #tpu.memory_space<vmem>>, vector<16xf32>,
        %mul3A_78 = arith.mulf %get3A_77, %gather3A : vector<16xf32>
        %swap3A_79 = arith.index_cast %scan3A_37 : i32 to index
        %swap3A_80 = arith.constant 80 : index
        %swap3A_81 = tpu.vector_load %arg11[%swap3A_79, %swap3A_80] {strides = array<i32>} : memref<128x128xf32, #tpu.memory_space<vmem>>, vector<16xf32>,
        tpu.vector_store %arg11[%swap3A_79, %swap3A_80], %mul3A_78 {strides = array<i32>} : memref<128x128xf32, #tpu.memory_space<vmem>>, vector<16xf32>,
        %get3A_82 = arith.index_cast %scan3A_37 : i32 to index
        %get3A_83 = arith.constant 96 : index
        %get3A_84 = tpu.vector_load %arg11[%get3A_82, %get3A_83] {strides = array<i32>} : memref<128x128xf32, #tpu.memory_space<vmem>>, vector<16xf32>,
        %mul3A_85 = arith.mulf %get3A_84, %gather3A : vector<16xf32>
        %swap3A_86 = arith.index_cast %scan3A_37 : i32 to index
        %swap3A_87 = arith.constant 96 : index
        %swap3A_88 = tpu.vector_load %arg11[%swap3A_86, %swap3A_87] {strides = array<i32>} : memref<128x128xf32, #tpu.memory_space<vmem>>, vector<16xf32>,
        tpu.vector_store %arg11[%swap3A_86, %swap3A_87], %mul3A_85 {strides = array<i32>} : memref<128x128xf32, #tpu.memory_space<vmem>>, vector<16xf32>,
        %get3A_89 = arith.index_cast %scan3A_37 : i32 to index
        %get3A_90 = arith.constant 112 : index
        %get3A_91 = tpu.vector_load %arg11[%get3A_89, %get3A_90] {strides = array<i32>} : memref<128x128xf32, #tpu.memory_space<vmem>>, vector<16xf32>,
        %mul3A_92 = arith.mulf %get3A_91, %gather3A : vector<16xf32>
        %swap3A_93 = arith.index_cast %scan3A_37 : i32 to index
        %swap3A_94 = arith.constant 112 : index
        %swap3A_95 = tpu.vector_load %arg11[%swap3A_93, %swap3A_94] {strides = array<i32>} : memref<128x128xf32, #tpu.memory_space<vmem>>, vector<16xf32>,
        tpu.vector_store %arg11[%swap3A_93, %swap3A_94], %mul3A_92 {strides = array<i32>} : memref<128x128xf32, #tpu.memory_space<vmem>>, vector<16xf32>,
      }
      %scan3A_36 = arith.constant 128 : i32
      "tpu.region"() ({
        %run_scoped3A = tpu.sem_alloc : memref<!tpu.dma_semaphore, #tpu.memory_space<semaphore_mem>>
        %dma_start3A_37 = arith.constant 0 : i32
        %dma_start3A_38 = tpu.memref_slice %arg9[%scan3A_20, %dma_start3A_37] : memref<80x128xi32, #tpu.memory_space<vmem>> -> memref<1x128xi32, #tpu.memory_space<vmem>>
        %dma_start3A_39 = tpu.memref_squeeze %dma_start3A_38 : memref<1x128xi32, #tpu.memory_space<vmem>> -> memref<128xi32, #tpu.memory_space<vmem>>
        %dma_start3A_40 = arith.constant 0 : i32
        %dma_start3A_41 = arith.constant 0 : i32
        %dma_start3A_42 = tpu.memref_slice %arg12[%dma_start3A_40, %dma_start3A_41] : memref<10000x128xf32, #tpu.memory_space<vmem_shared>> -> memref<10000x128xf32, #tpu.memory_space<vmem_shared>>
        tpu.enqueue_indirect_dma source(%arg11 : memref<128x128xf32, #tpu.memory_space<vmem>>) target(%dma_start3A_42 : memref<10000x128xf32, #tpu.memory_space<vmem_shared>>) offsets(%dma_start3A_39 : memref<128xi32, #tpu.memory_space<vmem>>) semaphore(%run_scoped3A : memref<!tpu.dma_semaphore, #tpu.memory_space<semaphore_mem>>) {add = true}
        %dma_wait3A_43 = arith.constant 0 : i32
        %dma_wait3A_44 = tpu.memref_slice %arg9[%scan3A_20, %dma_wait3A_43] : memref<80x128xi32, #tpu.memory_space<vmem>> -> memref<1x128xi32, #tpu.memory_space<vmem>>
        %dma_wait3A_45 = tpu.memref_squeeze %dma_wait3A_44 : memref<1x128xi32, #tpu.memory_space<vmem>> -> memref<128xi32, #tpu.memory_space<vmem>>
        %dma_wait3A_46 = arith.constant 0 : i32
        %dma_wait3A_47 = arith.constant 0 : i32
        %dma_wait3A_48 = tpu.memref_slice %arg12[%dma_wait3A_46, %dma_wait3A_47] : memref<10000x128xf32, #tpu.memory_space<vmem_shared>> -> memref<10000x128xf32, #tpu.memory_space<vmem_shared>>
        tpu.wait_indirect_dma semaphore(%run_scoped3A : memref<!tpu.dma_semaphore, #tpu.memory_space<semaphore_mem>>) src(%arg11 : memref<128x128xf32, #tpu.memory_space<vmem>>) dst(%dma_wait3A_48 : memref<10000x128xf32, #tpu.memory_space<vmem_shared>>)
        tpu.yield
      }) : () -> ()
    }
    %scan3A_13 = arith.constant 80 : i32
    %barrier3A_14 = arith.constant 0 : index
    tpu.barrier barrier_id(%barrier3A_14)
    "tpu.region"() ({
      %run_scoped3A = tpu.sem_alloc : memref<!tpu.dma_semaphore, #tpu.memory_space<semaphore_mem>>
      %dma_start3A = arith.constant 0 : i32
      %dma_start3A_20 = tpu.memref_slice %arg7[%arg0, %mul3A_6, %dma_start3A] : memref<2x10000x128xf32, #tpu.memory_space<hbm>> -> memref<1x624x128xf32, #tpu.memory_space<hbm>>
      %dma_start3A_21 = tpu.memref_squeeze %dma_start3A_20 : memref<1x624x128xf32, #tpu.memory_space<hbm>> -> memref<624x128xf32, #tpu.memory_space<hbm>>
      %dma_start3A_22 = arith.constant 0 : i32
      %dma_start3A_23 = tpu.memref_slice %arg12[%mul3A_6, %dma_start3A_22] : memref<10000x128xf32, #tpu.memory_space<vmem_shared>> -> memref<624x128xf32, #tpu.memory_space<vmem_shared>>
      tpu.enqueue_dma source(%dma_start3A_23 : memref<624x128xf32, #tpu.memory_space<vmem_shared>>) target(%dma_start3A_21 : memref<624x128xf32, #tpu.memory_space<hbm>>) target_semaphore(%run_scoped3A : memref<!tpu.dma_semaphore, #tpu.memory_space<semaphore_mem>>)
      %dma_wait3A = arith.constant 0 : i32
      %dma_wait3A_24 = tpu.memref_slice %arg7[%arg0, %mul3A_6, %dma_wait3A] : memref<2x10000x128xf32, #tpu.memory_space<hbm>> -> memref<1x624x128xf32, #tpu.memory_space<hbm>>
      %dma_wait3A_25 = tpu.memref_squeeze %dma_wait3A_24 : memref<1x624x128xf32, #tpu.memory_space<hbm>> -> memref<624x128xf32, #tpu.memory_space<hbm>>
      %dma_wait3A_26 = arith.constant 0 : i32
      %dma_wait3A_27 = tpu.memref_slice %arg12[%mul3A_6, %dma_wait3A_26] : memref<10000x128xf32, #tpu.memory_space<vmem_shared>> -> memref<624x128xf32, #tpu.memory_space<vmem_shared>>
      tpu.wait_dma2 semaphore(%run_scoped3A : memref<!tpu.dma_semaphore, #tpu.memory_space<semaphore_mem>>) src(%dma_wait3A_27 : memref<624x128xf32, #tpu.memory_space<vmem_shared>>) dst(%dma_wait3A_25 : memref<624x128xf32, #tpu.memory_space<hbm>>)
      tpu.yield
    }) : () -> ()
    %eq3A_15 = arith.constant 15 : i32
    %eq3A_16 = arith.cmpi eq, %arg1, %eq3A_15 : i32
    %convert_element_type3A_17 = arith.extui %eq3A_16 : i1 to i32
    %cond3A_18 = arith.constant 0 : i32
    %cond3A_19 = arith.cmpi ne, %convert_element_type3A_17, %cond3A_18 : i32
    scf.if %cond3A_19 {
      "tpu.region"() ({
        %run_scoped3A = tpu.sem_alloc : memref<!tpu.dma_semaphore, #tpu.memory_space<semaphore_mem>>
        %dma_start3A = arith.constant 9984 : i32
        %dma_start3A_20 = arith.constant 0 : i32
        %dma_start3A_21 = tpu.memref_slice %arg7[%arg0, %dma_start3A, %dma_start3A_20] : memref<2x10000x128xf32, #tpu.memory_space<hbm>> -> memref<1x16x128xf32, #tpu.memory_space<hbm>>
        %dma_start3A_22 = tpu.memref_squeeze %dma_start3A_21 : memref<1x16x128xf32, #tpu.memory_space<hbm>> -> memref<16x128xf32, #tpu.memory_space<hbm>>
        %dma_start3A_23 = arith.constant 9984 : i32
        %dma_start3A_24 = arith.constant 0 : i32
        %dma_start3A_25 = tpu.memref_slice %arg12[%dma_start3A_23, %dma_start3A_24] : memref<10000x128xf32, #tpu.memory_space<vmem_shared>> -> memref<16x128xf32, #tpu.memory_space<vmem_shared>>
        tpu.enqueue_dma source(%dma_start3A_25 : memref<16x128xf32, #tpu.memory_space<vmem_shared>>) target(%dma_start3A_22 : memref<16x128xf32, #tpu.memory_space<hbm>>) target_semaphore(%run_scoped3A : memref<!tpu.dma_semaphore, #tpu.memory_space<semaphore_mem>>)
        %dma_wait3A = arith.constant 9984 : i32
        %dma_wait3A_26 = arith.constant 0 : i32
        %dma_wait3A_27 = tpu.memref_slice %arg7[%arg0, %dma_wait3A, %dma_wait3A_26] : memref<2x10000x128xf32, #tpu.memory_space<hbm>> -> memref<1x16x128xf32, #tpu.memory_space<hbm>>
        %dma_wait3A_28 = tpu.memref_squeeze %dma_wait3A_27 : memref<1x16x128xf32, #tpu.memory_space<hbm>> -> memref<16x128xf32, #tpu.memory_space<hbm>>
        %dma_wait3A_29 = arith.constant 9984 : i32
        %dma_wait3A_30 = arith.constant 0 : i32
        %dma_wait3A_31 = tpu.memref_slice %arg12[%dma_wait3A_29, %dma_wait3A_30] : memref<10000x128xf32, #tpu.memory_space<vmem_shared>> -> memref<16x128xf32, #tpu.memory_space<vmem_shared>>
        tpu.wait_dma2 semaphore(%run_scoped3A : memref<!tpu.dma_semaphore, #tpu.memory_space<semaphore_mem>>) src(%dma_wait3A_31 : memref<16x128xf32, #tpu.memory_space<vmem_shared>>) dst(%dma_wait3A_28 : memref<16x128xf32, #tpu.memory_space<hbm>>)
        tpu.yield
      }) : () -> ()
    } else {
    }
    return
  }
}

module attributes {stable_mosaic.version = 14 : i64} {
  func.func @_mlp_body(%arg0: i32, %arg1: memref<2000x128xf32, #tpu.memory_space<vmem>>, %arg2: memref<2000x128xf32, #tpu.memory_space<vmem>>, %arg3: memref<2000x128xf32, #tpu.memory_space<vmem>>, %arg4: memref<128x128xf32, #tpu.memory_space<vmem>>, %arg5: memref<128x128xf32, #tpu.memory_space<vmem>>, %arg6: memref<8x128xf32, #tpu.memory_space<vmem>>, %arg7: memref<2000x128xf32, #tpu.memory_space<vmem>>, %arg8: memref<8x128xf32, #tpu.memory_space<vmem>>) attributes {dimension_semantics = [#tpu.dimension_semantics<arbitrary>], iteration_bounds = array<i64: 5>, scalar_prefetch = 0 : i64, scratch_operands = 0 : i64, tpu.core_type = #tpu.core_type<tc>, window_params = [{transform_indices = @transform_0, window_bounds = array<i64: 2000, 128>}, {transform_indices = @transform_1, window_bounds = array<i64: 2000, 128>}, {transform_indices = @transform_2, window_bounds = array<i64: 2000, 128>}, {pipeline_mode = #tpu.pipeline_mode<synchronous>, transform_indices = @transform_3, window_bounds = array<i64: 128, 128>}, {pipeline_mode = #tpu.pipeline_mode<synchronous>, transform_indices = @transform_4, window_bounds = array<i64: 128, 128>}, {pipeline_mode = #tpu.pipeline_mode<synchronous>, transform_indices = @transform_5, window_bounds = array<i64: 8, 128>}, {transform_indices = @transform_6, window_bounds = array<i64: 2000, 128>}, {pipeline_mode = #tpu.pipeline_mode<synchronous>, transform_indices = @transform_7, window_bounds = array<i64: 8, 128>}]} {
    %get3A = arith.constant 4 : index
    %get3A_0 = arith.constant 0 : index
    %get3A_1 = vector.load %arg6[%get3A, %get3A_0] : memref<8x128xf32, #tpu.memory_space<vmem>>, vector<1x128xf32>
    %get3A_2 = vector.shape_cast %get3A_1 : vector<1x128xf32> to vector<128xf32>
    %get3A_3 = arith.constant 0 : index
    %get3A_4 = arith.constant 0 : index
    %get3A_5 = vector.load %arg1[%get3A_3, %get3A_4] : memref<2000x128xf32, #tpu.memory_space<vmem>>, vector<2000x128xf32>
    %add3A = arith.constant 1.000000e+00 : f32
    %add3A_6 = vector.broadcast %add3A : f32 to vector<128xf32>
    %add3A_7 = arith.addf %add3A_6, %get3A_2 : vector<128xf32>
    %broadcast_in_dim3A = vector.shape_cast %add3A_7 : vector<128xf32> to vector<1x128xf32>
    %mul3A = vector.broadcast %broadcast_in_dim3A : vector<1x128xf32> to vector<2000x128xf32>
    %mul3A_8 = arith.mulf %get3A_5, %mul3A : vector<2000x128xf32>
    %get3A_9 = arith.constant 0 : index
    %get3A_10 = arith.constant 0 : index
    %get3A_11 = vector.load %arg2[%get3A_9, %get3A_10] : memref<2000x128xf32, #tpu.memory_space<vmem>>, vector<2000x128xf32>
    %add3A_12 = arith.addf %mul3A_8, %get3A_11 : vector<2000x128xf32>
    %get3A_13 = arith.constant 0 : index
    %get3A_14 = arith.constant 0 : index
    %get3A_15 = vector.load %arg3[%get3A_13, %get3A_14] : memref<2000x128xf32, #tpu.memory_space<vmem>>, vector<2000x128xf32>
    %add3A_16 = arith.addf %add3A_12, %get3A_15 : vector<2000x128xf32>
    %get3A_17 = arith.constant 0 : index
    %get3A_18 = arith.constant 0 : index
    %get3A_19 = vector.load %arg4[%get3A_17, %get3A_18] : memref<128x128xf32, #tpu.memory_space<vmem>>, vector<128x128xf32>
    %dot_general3A = arith.constant dense<0.000000e+00> : vector<2000x128xf32>
    %dot_general3A_20 = tpu.matmul %add3A_16, %get3A_19, %dot_general3A {dimension_numbers = #tpu.dot_dimension_numbers<[1], [0], [0], [1], [0, 0, 1, 1], [], []>, transpose_lhs_hint = false} : vector<2000x128xf32>, vector<128x128xf32>, vector<2000x128xf32> -> vector<2000x128xf32>
    %get3A_21 = arith.constant 0 : index
    %get3A_22 = arith.constant 0 : index
    %get3A_23 = vector.load %arg6[%get3A_21, %get3A_22] : memref<8x128xf32, #tpu.memory_space<vmem>>, vector<1x128xf32>
    %get3A_24 = vector.shape_cast %get3A_23 : vector<1x128xf32> to vector<128xf32>
    %broadcast_in_dim3A_25 = vector.shape_cast %get3A_24 : vector<128xf32> to vector<1x128xf32>
    %add3A_26 = vector.broadcast %broadcast_in_dim3A_25 : vector<1x128xf32> to vector<2000x128xf32>
    %add3A_27 = arith.addf %dot_general3A_20, %add3A_26 : vector<2000x128xf32>
    %max3A = arith.constant 0.000000e+00 : f32
    %max3A_28 = vector.broadcast %max3A : f32 to vector<2000x128xf32>
    %max3A_29 = arith.maximumf %add3A_27, %max3A_28 : vector<2000x128xf32>
    %get3A_30 = arith.constant 0 : index
    %get3A_31 = arith.constant 0 : index
    %get3A_32 = vector.load %arg5[%get3A_30, %get3A_31] : memref<128x128xf32, #tpu.memory_space<vmem>>, vector<128x128xf32>
    %dot_general3A_33 = arith.constant dense<0.000000e+00> : vector<2000x128xf32>
    %dot_general3A_34 = tpu.matmul %max3A_29, %get3A_32, %dot_general3A_33 {dimension_numbers = #tpu.dot_dimension_numbers<[1], [0], [0], [1], [0, 0, 1, 1], [], []>, transpose_lhs_hint = false} : vector<2000x128xf32>, vector<128x128xf32>, vector<2000x128xf32> -> vector<2000x128xf32>
    %get3A_35 = arith.constant 1 : index
    %get3A_36 = arith.constant 0 : index
    %get3A_37 = vector.load %arg6[%get3A_35, %get3A_36] : memref<8x128xf32, #tpu.memory_space<vmem>>, vector<1x128xf32>
    %get3A_38 = vector.shape_cast %get3A_37 : vector<1x128xf32> to vector<128xf32>
    %broadcast_in_dim3A_39 = vector.shape_cast %get3A_38 : vector<128xf32> to vector<1x128xf32>
    %add3A_40 = vector.broadcast %broadcast_in_dim3A_39 : vector<1x128xf32> to vector<2000x128xf32>
    %add3A_41 = arith.addf %dot_general3A_34, %add3A_40 : vector<2000x128xf32>
    %max3A_42 = arith.constant 0.000000e+00 : f32
    %max3A_43 = vector.broadcast %max3A_42 : f32 to vector<2000x128xf32>
    %max3A_44 = arith.maximumf %add3A_41, %max3A_43 : vector<2000x128xf32>
    %swap3A = arith.constant 0 : index
    %swap3A_45 = arith.constant 0 : index
    %swap3A_46 = vector.load %arg7[%swap3A, %swap3A_45] : memref<2000x128xf32, #tpu.memory_space<vmem>>, vector<2000x128xf32>
    tpu.vector_store %arg7[%swap3A, %swap3A_45], %max3A_44 {strides = array<i32>} : memref<2000x128xf32, #tpu.memory_space<vmem>>, vector<2000x128xf32>,
    %reduce_sum3A = arith.constant dense<0.000000e+00> : vector<128xf32>
    %reduce_sum3A_47 = vector.multi_reduction <add>, %max3A_44, %reduce_sum3A [0] : vector<2000x128xf32> to vector<128xf32>
    %broadcast_in_dim3A_48 = vector.shape_cast %reduce_sum3A_47 : vector<128xf32> to vector<1x128xf32>
    %mul3A_49 = arith.mulf %max3A_44, %max3A_44 : vector<2000x128xf32>
    %reduce_sum3A_50 = arith.constant dense<0.000000e+00> : vector<128xf32>
    %reduce_sum3A_51 = vector.multi_reduction <add>, %mul3A_49, %reduce_sum3A_50 [0] : vector<2000x128xf32> to vector<128xf32>
    %broadcast_in_dim3A_52 = vector.shape_cast %reduce_sum3A_51 : vector<128xf32> to vector<1x128xf32>
    %broadcast_in_dim3A_53 = arith.constant 0.000000e+00 : f32
    %broadcast_in_dim3A_54 = vector.broadcast %broadcast_in_dim3A_53 : f32 to vector<6x128xf32>
    %concatenate3A = tpu.concatenate %broadcast_in_dim3A_48, %broadcast_in_dim3A_52, %broadcast_in_dim3A_54 in 0 : vector<1x128xf32>, vector<1x128xf32>, vector<6x128xf32> -> vector<8x128xf32>
    %eq3A = arith.constant 0 : i32
    %eq3A_55 = arith.cmpi eq, %arg0, %eq3A : i32
    %convert_element_type3A = arith.extui %eq3A_55 : i1 to i32
    %cond3A = arith.constant 0 : i32
    %cond3A_56 = arith.cmpi ne, %convert_element_type3A, %cond3A : i32
    scf.if %cond3A_56 {
      %swap3A_61 = arith.constant 0 : index
      %swap3A_62 = arith.constant 0 : index
      %swap3A_63 = vector.load %arg8[%swap3A_61, %swap3A_62] : memref<8x128xf32, #tpu.memory_space<vmem>>, vector<8x128xf32>
      tpu.vector_store %arg8[%swap3A_61, %swap3A_62], %concatenate3A {strides = array<i32>} : memref<8x128xf32, #tpu.memory_space<vmem>>, vector<8x128xf32>,
    } else {
    }
    %gt3A = arith.constant 0 : i32
    %gt3A_57 = arith.cmpi sgt, %arg0, %gt3A : i32
    %convert_element_type3A_58 = arith.extui %gt3A_57 : i1 to i32
    %cond3A_59 = arith.constant 0 : i32
    %cond3A_60 = arith.cmpi ne, %convert_element_type3A_58, %cond3A_59 : i32
    scf.if %cond3A_60 {
      %get3A_61 = arith.constant 0 : index
      %get3A_62 = arith.constant 0 : index
      %get3A_63 = vector.load %arg8[%get3A_61, %get3A_62] : memref<8x128xf32, #tpu.memory_space<vmem>>, vector<8x128xf32>
      %add3A_64 = arith.addf %get3A_63, %concatenate3A : vector<8x128xf32>
      %swap3A_65 = arith.constant 0 : index
      %swap3A_66 = arith.constant 0 : index
      %swap3A_67 = vector.load %arg8[%swap3A_65, %swap3A_66] : memref<8x128xf32, #tpu.memory_space<vmem>>, vector<8x128xf32>
      tpu.vector_store %arg8[%swap3A_65, %swap3A_66], %add3A_64 {strides = array<i32>} : memref<8x128xf32, #tpu.memory_space<vmem>>, vector<8x128xf32>,
    } else {
    }
    return
  }
  func.func @transform_0(%arg0: i32) -> (i32, i32) {
    %c0_i32 = arith.constant 0 : i32
    %c0_i32_0 = arith.constant 0 : i32
    return %arg0, %c0_i32 : i32, i32
  }
  func.func @transform_1(%arg0: i32) -> (i32, i32) {
    %c0_i32 = arith.constant 0 : i32
    %c0_i32_0 = arith.constant 0 : i32
    return %arg0, %c0_i32 : i32, i32
  }
  func.func @transform_2(%arg0: i32) -> (i32, i32) {
    %c0_i32 = arith.constant 0 : i32
    %c0_i32_0 = arith.constant 0 : i32
    return %arg0, %c0_i32 : i32, i32
  }
  func.func @transform_3(%arg0: i32) -> (i32, i32) {
    %c0_i32 = arith.constant 0 : i32
    %c0_i32_0 = arith.constant 0 : i32
    %c0_i32_1 = arith.constant 0 : i32
    return %c0_i32, %c0_i32_0 : i32, i32
  }
  func.func @transform_4(%arg0: i32) -> (i32, i32) {
    %c0_i32 = arith.constant 0 : i32
    %c0_i32_0 = arith.constant 0 : i32
    %c0_i32_1 = arith.constant 0 : i32
    return %c0_i32, %c0_i32_0 : i32, i32
  }
  func.func @transform_5(%arg0: i32) -> (i32, i32) {
    %c0_i32 = arith.constant 0 : i32
    %c0_i32_0 = arith.constant 0 : i32
    %c0_i32_1 = arith.constant 0 : i32
    return %c0_i32, %c0_i32_0 : i32, i32
  }
  func.func @transform_6(%arg0: i32) -> (i32, i32) {
    %c0_i32 = arith.constant 0 : i32
    %c0_i32_0 = arith.constant 0 : i32
    return %arg0, %c0_i32 : i32, i32
  }
  func.func @transform_7(%arg0: i32) -> (i32, i32) {
    %c0_i32 = arith.constant 0 : i32
    %c0_i32_0 = arith.constant 0 : i32
    %c0_i32_1 = arith.constant 0 : i32
    return %c0_i32, %c0_i32_0 : i32, i32
  }
}

module attributes {stable_mosaic.version = 14 : i64} {
  func.func @_bn_body(%arg0: i32, %arg1: memref<2000x128xf32, #tpu.memory_space<vmem>>, %arg2: memref<8x128xf32, #tpu.memory_space<vmem>>, %arg3: memref<8x128xf32, #tpu.memory_space<vmem>>, %arg4: memref<1x1x2000xi32, #tpu.memory_space<vmem>>, %arg5: memref<2000x128xf32, #tpu.memory_space<vmem>>, %arg6: memref<128x128xf32, #tpu.memory_space<vmem>>) attributes {dimension_semantics = [#tpu.dimension_semantics<arbitrary>], iteration_bounds = array<i64: 5>, scalar_prefetch = 0 : i64, scratch_operands = 0 : i64, tpu.core_type = #tpu.core_type<tc>, window_params = [{transform_indices = @transform_0, window_bounds = array<i64: 2000, 128>}, {pipeline_mode = #tpu.pipeline_mode<synchronous>, transform_indices = @transform_1, window_bounds = array<i64: 8, 128>}, {pipeline_mode = #tpu.pipeline_mode<synchronous>, transform_indices = @transform_2, window_bounds = array<i64: 8, 128>}, {transform_indices = @transform_3, window_bounds = array<i64: 1, 1, 2000>}, {transform_indices = @transform_4, window_bounds = array<i64: 2000, 128>}, {pipeline_mode = #tpu.pipeline_mode<synchronous>, transform_indices = @transform_5, window_bounds = array<i64: 128, 128>}]} {
    %get3A = arith.constant 0 : index
    %get3A_0 = arith.constant 0 : index
    %get3A_1 = vector.load %arg2[%get3A, %get3A_0] : memref<8x128xf32, #tpu.memory_space<vmem>>, vector<1x128xf32>
    %get3A_2 = vector.shape_cast %get3A_1 : vector<1x128xf32> to vector<128xf32>
    %mul3A = arith.constant 9.99999974E-5 : f32
    %mul3A_3 = vector.broadcast %mul3A : f32 to vector<128xf32>
    %mul3A_4 = arith.mulf %get3A_2, %mul3A_3 : vector<128xf32>
    %get3A_5 = arith.constant 1 : index
    %get3A_6 = arith.constant 0 : index
    %get3A_7 = vector.load %arg2[%get3A_5, %get3A_6] : memref<8x128xf32, #tpu.memory_space<vmem>>, vector<1x128xf32>
    %get3A_8 = vector.shape_cast %get3A_7 : vector<1x128xf32> to vector<128xf32>
    %mul3A_9 = arith.constant 9.99999974E-5 : f32
    %mul3A_10 = vector.broadcast %mul3A_9 : f32 to vector<128xf32>
    %mul3A_11 = arith.mulf %get3A_8, %mul3A_10 : vector<128xf32>
    %mul3A_12 = arith.mulf %mul3A_4, %mul3A_4 : vector<128xf32>
    %sub3A = arith.subf %mul3A_11, %mul3A_12 : vector<128xf32>
    %add3A = arith.constant 9.99999974E-6 : f32
    %add3A_13 = vector.broadcast %add3A : f32 to vector<128xf32>
    %add3A_14 = arith.addf %sub3A, %add3A_13 : vector<128xf32>
    %rsqrt3A = math.rsqrt %add3A_14 : vector<128xf32>
    %get3A_15 = arith.constant 2 : index
    %get3A_16 = arith.constant 0 : index
    %get3A_17 = vector.load %arg3[%get3A_15, %get3A_16] : memref<8x128xf32, #tpu.memory_space<vmem>>, vector<1x128xf32>
    %get3A_18 = vector.shape_cast %get3A_17 : vector<1x128xf32> to vector<128xf32>
    %get3A_19 = arith.constant 3 : index
    %get3A_20 = arith.constant 0 : index
    %get3A_21 = vector.load %arg3[%get3A_19, %get3A_20] : memref<8x128xf32, #tpu.memory_space<vmem>>, vector<1x128xf32>
    %get3A_22 = vector.shape_cast %get3A_21 : vector<1x128xf32> to vector<128xf32>
    %mul3A_23 = arith.mulf %get3A_18, %rsqrt3A : vector<128xf32>
    %mul3A_24 = arith.mulf %mul3A_4, %mul3A_23 : vector<128xf32>
    %sub3A_25 = arith.subf %get3A_22, %mul3A_24 : vector<128xf32>
    %get3A_26 = arith.constant 0 : index
    %get3A_27 = arith.constant 0 : index
    %get3A_28 = vector.load %arg1[%get3A_26, %get3A_27] : memref<2000x128xf32, #tpu.memory_space<vmem>>, vector<2000x128xf32>
    %broadcast_in_dim3A = vector.shape_cast %mul3A_23 : vector<128xf32> to vector<1x128xf32>
    %mul3A_29 = vector.broadcast %broadcast_in_dim3A : vector<1x128xf32> to vector<2000x128xf32>
    %mul3A_30 = arith.mulf %get3A_28, %mul3A_29 : vector<2000x128xf32>
    %broadcast_in_dim3A_31 = vector.shape_cast %sub3A_25 : vector<128xf32> to vector<1x128xf32>
    %add3A_32 = vector.broadcast %broadcast_in_dim3A_31 : vector<1x128xf32> to vector<2000x128xf32>
    %add3A_33 = arith.addf %mul3A_30, %add3A_32 : vector<2000x128xf32>
    %swap3A = arith.constant 0 : index
    %swap3A_34 = arith.constant 0 : index
    %swap3A_35 = vector.load %arg5[%swap3A, %swap3A_34] : memref<2000x128xf32, #tpu.memory_space<vmem>>, vector<2000x128xf32>
    tpu.vector_store %arg5[%swap3A, %swap3A_34], %add3A_33 {strides = array<i32>} : memref<2000x128xf32, #tpu.memory_space<vmem>>, vector<2000x128xf32>,
    %get3A_36 = arith.constant 0 : index
    %get3A_37 = arith.constant 0 : index
    %get3A_38 = arith.constant 0 : index
    %get3A_39 = vector.load %arg4[%get3A_36, %get3A_37, %get3A_38] : memref<1x1x2000xi32, #tpu.memory_space<vmem>>, vector<1x1x2000xi32>
    %get3A_40 = vector.shape_cast %get3A_39 : vector<1x1x2000xi32> to vector<2000xi32>
    %iota3A = tpu.iota {dimensions = array<i32: 0>} : vector<128x2000xi32>
    %broadcast_in_dim3A_41 = vector.shape_cast %get3A_40 : vector<2000xi32> to vector<1x2000xi32>
    %eq3A = vector.broadcast %broadcast_in_dim3A_41 : vector<1x2000xi32> to vector<128x2000xi32>
    %eq3A_42 = arith.cmpi eq, %iota3A, %eq3A : vector<128x2000xi32>
    %convert_element_type3A = arith.extui %eq3A_42 : vector<128x2000xi1> to vector<128x2000xi32>
    %convert_element_type3A_43 = arith.sitofp %convert_element_type3A : vector<128x2000xi32> to vector<128x2000xf32>
    %dot_general3A = arith.constant dense<0.000000e+00> : vector<128x128xf32>
    %dot_general3A_44 = tpu.matmul %convert_element_type3A_43, %add3A_33, %dot_general3A {dimension_numbers = #tpu.dot_dimension_numbers<[1], [0], [0], [1], [0, 0, 1, 1], [], []>, transpose_lhs_hint = false} : vector<128x2000xf32>, vector<2000x128xf32>, vector<128x128xf32> -> vector<128x128xf32>
    %eq3A_45 = arith.constant 0 : i32
    %eq3A_46 = arith.cmpi eq, %arg0, %eq3A_45 : i32
    %convert_element_type3A_47 = arith.extui %eq3A_46 : i1 to i32
    %cond3A = arith.constant 0 : i32
    %cond3A_48 = arith.cmpi ne, %convert_element_type3A_47, %cond3A : i32
    scf.if %cond3A_48 {
      %swap3A_53 = arith.constant 0 : index
      %swap3A_54 = arith.constant 0 : index
      %swap3A_55 = vector.load %arg6[%swap3A_53, %swap3A_54] : memref<128x128xf32, #tpu.memory_space<vmem>>, vector<128x128xf32>
      tpu.vector_store %arg6[%swap3A_53, %swap3A_54], %dot_general3A_44 {strides = array<i32>} : memref<128x128xf32, #tpu.memory_space<vmem>>, vector<128x128xf32>,
    } else {
    }
    %gt3A = arith.constant 0 : i32
    %gt3A_49 = arith.cmpi sgt, %arg0, %gt3A : i32
    %convert_element_type3A_50 = arith.extui %gt3A_49 : i1 to i32
    %cond3A_51 = arith.constant 0 : i32
    %cond3A_52 = arith.cmpi ne, %convert_element_type3A_50, %cond3A_51 : i32
    scf.if %cond3A_52 {
      %get3A_53 = arith.constant 0 : index
      %get3A_54 = arith.constant 0 : index
      %get3A_55 = vector.load %arg6[%get3A_53, %get3A_54] : memref<128x128xf32, #tpu.memory_space<vmem>>, vector<128x128xf32>
      %add3A_56 = arith.addf %get3A_55, %dot_general3A_44 : vector<128x128xf32>
      %swap3A_57 = arith.constant 0 : index
      %swap3A_58 = arith.constant 0 : index
      %swap3A_59 = vector.load %arg6[%swap3A_57, %swap3A_58] : memref<128x128xf32, #tpu.memory_space<vmem>>, vector<128x128xf32>
      tpu.vector_store %arg6[%swap3A_57, %swap3A_58], %add3A_56 {strides = array<i32>} : memref<128x128xf32, #tpu.memory_space<vmem>>, vector<128x128xf32>,
    } else {
    }
    return
  }
  func.func @transform_0(%arg0: i32) -> (i32, i32) {
    %c0_i32 = arith.constant 0 : i32
    %c0_i32_0 = arith.constant 0 : i32
    return %arg0, %c0_i32 : i32, i32
  }
  func.func @transform_1(%arg0: i32) -> (i32, i32) {
    %c0_i32 = arith.constant 0 : i32
    %c0_i32_0 = arith.constant 0 : i32
    %c0_i32_1 = arith.constant 0 : i32
    return %c0_i32, %c0_i32_0 : i32, i32
  }
  func.func @transform_2(%arg0: i32) -> (i32, i32) {
    %c0_i32 = arith.constant 0 : i32
    %c0_i32_0 = arith.constant 0 : i32
    %c0_i32_1 = arith.constant 0 : i32
    return %c0_i32, %c0_i32_0 : i32, i32
  }
  func.func @transform_3(%arg0: i32) -> (i32, i32, i32) {
    %c0_i32 = arith.constant 0 : i32
    %c0_i32_0 = arith.constant 0 : i32
    %c0_i32_1 = arith.constant 0 : i32
    return %arg0, %c0_i32, %c0_i32_0 : i32, i32, i32
  }
  func.func @transform_4(%arg0: i32) -> (i32, i32) {
    %c0_i32 = arith.constant 0 : i32
    %c0_i32_0 = arith.constant 0 : i32
    return %arg0, %c0_i32 : i32, i32
  }
  func.func @transform_5(%arg0: i32) -> (i32, i32) {
    %c0_i32 = arith.constant 0 : i32
    %c0_i32_0 = arith.constant 0 : i32
    %c0_i32_1 = arith.constant 0 : i32
    return %c0_i32, %c0_i32_0 : i32, i32
  }
}

</mosaic_0001>

<sc_bundles>
// kernel: kernel.11.cloned.1.call-start
scs
__scs_entry_jumppad:
0x0: {  	(pc) =	sbr.rel $0x88, $3  }
0x1: {  	(tag) =	ssettag $0x0;
	lr =	simm.s32 $0x1  }
0x2: {  	[smem:$0x3F88] =	sst lr;
	_ =	strace $0xD0000000  }
0x3: {  	_ = 	snop  }
0x4: {  	_ = 	snop  }
0x5: {  	_ = 	snop  }
0x6: {  	_ = 	snop  }
0x7: {  	_ = 	snop  }
__scs_overlays_trampoline_lowered:
0x8: {  	[smem:$0x3F97] =	sst s0  }
0x9: {  	[smem:$0x3F98] =	sst s1  }
0xa: {  	[smem:$0x3F99] =	sst s2  }
0xb: {  	[smem:$0x3F9A] =	sst s3  }
0xc: {  	[smem:$0x3F9B] =	sst s4  }
0xd: {  	[smem:$0x3F9C] =	sst s5  }
0xe: {  	[smem:$0x3F9D] =	sst s6  }
0xf: {  	[smem:$0x3F9E] =	sst s7  }
0x10: {  	[smem:$0x3F9F] =	sst s8  }
0x11: {  	[smem:$0x3FA0] =	sst s9;
	s0 =	simm.s32 @!p0 $0x0  }
0x12: {  	s1 =	sld [smem:$0x3F86];
	s0 =	simm.s32 @p0 $0x1  }
0x13: {  	[smem:$0x3FA1] =	sst s0;
	s0 =	simm.s32 @!p1 $0x0  }
0x14: {  	s2 =	sld [smem:$0x3F85];
	s0 =	simm.s32 @p1 $0x1  }
0x15: {  	[smem:$0x3FA2] =	sst s0;
	s0 =	simm.s32 @!p2 $0x0  }
0x16: {  	s3 =	sld [smem:$0x3FDB];
	s0 =	simm.s32 @p2 $0x1  }
0x17: {  	s4 =	simm.s32 $0x1BF5;
	[smem:$0x3FA4] =	sst s0  }
0x18: {  	s0 =	sld [smem:$0x3F87];
	_ =	swait.ge [sflag:s4], $0x0  }
0x19: {  	s7 =	sld [smem:$0x3F88]  }
0x1a: {  	s8 =	sadd.s32 $0xFFFFE003, lr  }
0x1b: {  	s9 =	sadd.s32 $0xFFFFFEF7, lr;
	s5 =	simm.s32 $0xFFFFFFFF;
	p2 =	slt.u32 s8, $0xFFFFF086  }
0x1c: {  	p1 =	slt.u32 s9, $0xF7A;
	s5 =	simm.s32 @!p2 $0x0  }
0x1d: {  	s5 =	simm.s32 @p1 $0x1;
	p0 =	seq.s32 s7, s2  }
0x1e: {  	s7 =	smul.u32 @!p0 $0xF7A, s2;
	p2 =	seq.s32 @!p0 s5, $0x0  }
0x1f: {  	s9 =	smul.u32 $0xF7A, s1;
	s8 =	simm.s32 @!p0 $0x1BF5;
	p2 =	por !p2, p0  }
0x20: {  	[sflag:s8] =	ssyncset.s32 @!p0 $0xFFFFF086;
	s6 =	sadd.s32 @!p0 s3, s7;
	s7 =	simm.s32 @!p0 $0x108  }
0x21: {  	s3 =	sadd.s32 s3, s9;
	s6 =	sadd.s32 @!p0 $0x88, s6;
	s7 =	simm.s32 @p2 $0x1082  }
0x22: {  	[simem:s7], [sflag:s8] =	dma.local @!p0 [hbm:s6], $0xF7A  }
0x23: {  	s9 =	sor.u32 $0xD0000000, s2;
	s6 =	simm.s32 $0x108;
	_ =	swait.ge @!p0 [sflag:s8], $0x0  }
0x24: {  	s3 =	sadd.s32 $0x88, s3;
	s6 =	simm.s32 @!p1 $0x1082;
	[sflag:s4] =	ssyncset.s32 $0xFFFFF086  }
0x25: {  	[simem:s6], [sflag:s4] =	dma.local [hbm:s3], $0xF7A  }
0x26: {  	[smem:$0x3F88] =	sst s1;
	(tag) =	ssettag s2;
	_ =	strace s9  }
0x27: {  	s1 =	sld [smem:$0x3F98]  }
0x28: {  	s2 =	sld [smem:$0x3F99]  }
0x29: {  	s4 =	sld [smem:$0x3F9B]  }
0x2a: {  	p0 =	seq.s32 s5, $0x0;
	s5 =	sld [smem:$0x3F9C]  }
0x2b: {  	s6 =	sld [smem:$0x3F9D]  }
0x2c: {  	s7 =	sld [smem:$0x3F9E]  }
0x2d: {  	s3 =	simm.s32 $0x108;
	s8 =	sld [smem:$0x3F9F]  }
0x2e: {  	s3 =	simm.s32 @!p0 $0x1082;
	s9 =	sld [smem:$0x3FA0]  }
0x2f: {  	lr =	sadd.s32 s0, s3;
	s0 =	sld [smem:$0x3F97]  }
0x30: {  	s3 =	sld [smem:$0x3F9A]  }
0x31: {  	[smem:$0x3FA3] =	sst s10  }
0x32: {  	s10 =	sld [smem:$0x3FA1];
	_ =	sdelay $0x3  }
0x33: {  	p0 =	seq.s32 s10, $0x1;
	s10 =	sld [smem:$0x3FA3];
	_ =	sdelay $0x3  }
0x34: {  	[smem:$0x3FA3] =	sst s10  }
0x35: {  	s10 =	sld [smem:$0x3FA2];
	_ =	sdelay $0x3  }
0x36: {  	p1 =	seq.s32 s10, $0x1;
	s10 =	sld [smem:$0x3FA3];
	_ =	sdelay $0x3  }
0x37: {  	[smem:$0x3FA3] =	sst s10  }
0x38: {  	s10 =	sld [smem:$0x3FA4]  }
0x39: {  	_ = 	snop;
	(pc) =	sbr.ind lr, $3  }
0x3a: {  	_ = 	snop  }
0x3b: {  	_ = 	snop  }
0x3c: {  	p2 =	seq.s32 s10, $0x1;
	s10 =	sld [smem:$0x3FA3]  }
0x3d: {  	_ =	shalt  }
0x3e: {  	_ =	shalt  }
0x3f: {  	_ =	shalt  }
0x40: {  	_ =	shalt  }
0x41: {  	_ =	shalt  }
0x42: {  	_ =	shalt  }
0x43: {  	_ =	shalt  }
0x44: {  	_ =	shalt  }
0x45: {  	_ =	shalt  }
0x46: {  	_ =	shalt  }
0x47: {  	_ =	shalt  }
0x48: {  	_ =	shalt  }
0x49: {  	_ =	shalt  }
0x4a: {  	_ =	shalt  }
0x4b: {  	_ =	shalt  }
0x4c: {  	_ =	shalt  }
0x4d: {  	_ =	shalt  }
0x4e: {  	_ =	shalt  }
0x4f: {  	_ =	shalt  }
0x50: {  	_ =	shalt  }
0x51: {  	_ =	shalt  }
0x52: {  	_ =	shalt  }
0x53: {  	_ =	shalt  }
0x54: {  	_ =	shalt  }
0x55: {  	_ =	shalt  }
0x56: {  	_ =	shalt  }
0x57: {  	_ =	shalt  }
0x58: {  	_ =	shalt  }
0x59: {  	_ =	shalt  }
0x5a: {  	_ =	shalt  }
0x5b: {  	_ =	shalt  }
0x5c: {  	_ =	shalt  }
0x5d: {  	_ =	shalt  }
0x5e: {  	_ =	shalt  }
0x5f: {  	_ =	shalt  }
0x60: {  	_ =	shalt  }
0x61: {  	_ =	shalt  }
0x62: {  	_ =	shalt  }
0x63: {  	_ =	shalt  }
0x64: {  	_ =	shalt  }
0x65: {  	_ =	shalt  }
0x66: {  	_ =	shalt  }
0x67: {  	_ =	shalt  }
0x68: {  	_ =	shalt  }
0x69: {  	_ =	shalt  }
0x6a: {  	_ =	shalt  }
0x6b: {  	_ =	shalt  }
0x6c: {  	_ =	shalt  }
0x6d: {  	_ =	shalt  }
0x6e: {  	_ =	shalt  }
0x6f: {  	_ =	shalt  }
0x70: {  	_ =	shalt  }
0x71: {  	_ =	shalt  }
0x72: {  	_ =	shalt  }
0x73: {  	_ =	shalt  }
0x74: {  	_ =	shalt  }
0x75: {  	_ =	shalt  }
0x76: {  	_ =	shalt  }
0x77: {  	_ =	shalt  }
0x78: {  	_ =	shalt  }
0x79: {  	_ =	shalt  }
0x7a: {  	_ =	shalt  }
0x7b: {  	_ =	shalt  }
0x7c: {  	_ =	shalt  }
0x7d: {  	_ =	shalt  }
0x7e: {  	_ =	shalt  }
0x7f: {  	_ =	shalt  }
0x80: {  	_ =	shalt  }
0x81: {  	_ =	shalt  }
0x82: {  	_ =	shalt  }
0x83: {  	_ =	shalt  }
0x84: {  	_ =	shalt  }
0x85: {  	_ =	shalt  }
0x86: {  	_ =	shalt  }
0x87: {  	_ =	shalt  }
.Lfunc_end0:
.L_simem_size_0:
called_computation_lowered:
.L_overlay_start_0:
0x88: {  	s2 =	sld [smem:$0x3FD9]  }
0x89: {  	s3 =	sld [smem:$0x3FFE];
	_ =	sdelay $0x1  }
0x8a: {  	s1 =	srdreg.scid  }
0x8b: {  	s0 =	sand.u32 $0x1, s1  }
0x8c: {  	s14 =	sshll.u32 s0, $0xA;
	s2 =	sadd.s32 s3, s2  }
0x8d: {  	s2 =	sadd.s32 s2, s14  }
0x8e: {  	[smem:$0x3FAF] =	sst s2  }
0x8f: {  	_ = 	snop  }
0x90: {  	s2 =	sld [smem:$0x3FD0];
	_ =	sdelay $0x2  }
0x91: {  	s4 =	simm.s32 $0xA;
	s5 =	simm.s32 $0x10;
	s15 =	sld [smem:$0x3FC9]  }
0x92: {  	[smem:s5], [sflag:s4] =	dma.local [hbm:s2], $0x1  }
0x93: {  	_ =	swait.eq [sflag:s4], $0x1  }
0x94: {  	[sflag:s4] =	ssyncset.done $0x0  }
0x95: {  	[sflag:s4] =	ssyncadd.s32 $0xFFFFFFFF  }
0x96: {  	s16 =	sld [smem:$0x11];
	(tm) =	ssettm $0x1  }
0x97: {  	s17 =	sld [smem:$0x3FFB];
	_ =	sdelay $0x3  }
0x98: {  	_ =	strace s17  }
0x99: {  	s4 =	sld [smem:$0x3FFC];
	_ =	sdelay $0x3  }
0x9a: {  	_ =	strace s4  }
0x9b: {  	s4 =	sld [smem:$0x3FFD];
	_ =	sdelay $0x3  }
0x9c: {  	_ =	strace s4  }
0x9d: {  	_ =	strace $0x8FFFFFFF  }
0x9e: {  	s18 =	sld [smem:$0x3FDB];
	_ =	sdelay $0x1  }
0x9f: {  	s19 =	simm.s32 $_scs_section_size  }
0xa0: {  	s6 =	simm.s32 $_size__tile_overlayer_lowered;
	s7 =	simm.s32 $_tile_overlayer_lowered  }
0xa1: {  	s22 =	simm.s32 $0x1BFF;
	s21 =	sshll.u32 s7, $0x1;
	s4 =	sadd.s32 s19, s18  }
0xa2: {  	s8 =	simm.s32 $0x0;
	s20 =	sshll.u32 s6, $0x1;
	s6 =	sadd.s32 s21, s4  }
0xa3: {  	[timem:s8], [sflag:s22] =	dma.local [hbm:s6], s20  }
0xa4: {  	_ =	swait.ge [sflag:s22], s20  }
0xa5: {  	s5 =	ssub.s32 $0x0, s20;
	[sflag:s22] =	ssyncset.done $0x0  }
0xa6: {  	[sflag:s22] =	ssyncadd.s32 s5;
	_ =	sdelay $0x1  }
0xa7: {  	s23 =	simm.s32 $0x1B8B  }
0xa8: {  	_ =	swait.ge [sflag:s23], $0x1  }
0xa9: {  	[sflag:s23] =	ssyncset.done $0x0  }
0xaa: {  	s25 =	simm.s32 $0x1B8E;
	s24 =	sld [smem:$0x3FFE];
	[sflag:s23] =	ssyncadd.s32 $0xFFFFFFFF  }
0xab: {  	s26 =	simm.s32 $execute0_lowered;
	[smem:$0x3FD2] =	sst s25  }
0xac: {  	s6 =	sshll.u32 s26, $0x1;
	_ =	strace $0x80000046;
	[dreg:$0x1] =	wrdreg $0xFFFFFFFF  }
0xad: {  	s28 =	simm.s32 $_size_execute0_lowered;
	s4 =	sadd.s32 s4, s6;
	[dreg:$0x0] =	wrdreg $0x0  }
0xae: {  	s6 =	sshll.u32 s28, $0x1;
	[dreg:$0x2] =	wrdreg s4  }
0xaf: {  	[dreg:$0x3] =	wrdreg s6  }
0xb0: {  	[dreg:$0x4] =	wrdreg $0xC0  }
0xb1: {  	_ =	task [dreg:s8], $0x5FFFF  }
0xb2: {  	[dreg:$0x1] =	wrdreg $0xFFFFFFFF  }
0xb3: {  	[dreg:$0x0] =	wrdreg $0x60  }
0xb4: {  	[dreg:$0x2] =	wrdreg s15  }
0xb5: {  	[dreg:$0x3] =	wrdreg s24  }
0xb6: {  	[dreg:$0x4] =	wrdreg s16  }
0xb7: {  	[dreg:$0x5] =	wrdreg $0xB8000  }
0xb8: {  	[dreg:$0x6] =	wrdreg $0x9  }
0xb9: {  	_ =	task.clear_ibuf [dreg:s8], $0x7FFFF;
	_ =	strace $0x90000046  }
0xba: {  	s29 =	simm.s32 $0x9;
	_ =	strace $0x80000048  }
0xbb: {  	_ =	swait.ge [sflag:s29], $0x1  }
0xbc: {  	[sflag:s29] =	ssyncadd.s32 $0xFFFFFFFF  }
0xbd: {  	_ =	strace $0x90000048  }
0xbe: {  	_ =	sfence  }
0xbf: {  	s30 =	sld [smem:$0x0];
	_ =	sdelay $0x2  }
0xc0: {  	s31 =	sshll.u32 s1, $0xD;
	s1 =	sshrl.u32 s1, $0x2  }
0xc1: {  	s3 =	sand.u32 $0x4000, s31;
	s1 =	sadd.s32 s1, s30  }
0xc2: {  	s0 =	sor.u32 s3, s0;
	s1 =	sshll.u32 s1, $0x11  }
0xc3: {  	s0 =	sor.u32 s1, s0  }
0xc4: {  	s0 =	sadd.s32 $0x8F2B, s0  }
0xc5: {  	[sflag:s0] =	ssyncadd.remote.s32 $0x1  }
0xc6: {  	_ =	sfence.sel $0xFFFF  }
0xc7: {  	[dreg:$0x0] =	wrdreg $0xFFFFFFFF;
	(pc) =	sbr.abs _section_cstart, $3  }
0xc8: {  	[dreg:$0x1] =	wrdreg $0xFFFFFFFF  }
0xc9: {  	_ =	task.clear_ibuf [dreg:s8], $0x2FFFF;
	_ =	strace $0x9FFFFFFF  }
0xca: {  	(tm) =	ssettm $0x7FFFFFFF  }
0xcb: {  	_ =	shalt  }
tec
execute0_lowered:
.L_overlay_start_1:
0x0: {  	(tag) =	ssettag $0x1  }
0x1: {  	s1 =	rddreg [dreg:$0x0]  }
0x2: {  	s9 =	rddreg [dreg:$0x1];
	s2 =	srdreg.scid  }
0x3: {  	s0 =	stileid.u32;
	s10 =	rddreg [dreg:$0x2]  }
0x4: {  	s3 =	rddreg [dreg:$0x3];
	s4 =	simm.s32 $0x0;
	s19 =	simm.s32 $0x80  }
0x5: {  	s20 =	simm.s32 $0x7800;
	s21 =	simm.s32 $0x1;
	s22 =	simm.s32 $0x0  }
0x6: {  	s7 =	sand.u32 $0x1, s2;
	s2 =	rddreg [dreg:$0x4];
	s11 =	smul.u32 $0x13800, s0  }
0x7: {  	s29 =	sshll.u32 s0, $0x1;
	[smem:$0x7FF] =	sst s4;
	s13 =	smul.u32 $0x4E000, s0  }
0x8: {  	s18 =	sadd.s32 $0x138000, s3;
	p0 =	sne.s32 s0, $0xF;
	s16 =	sshll.u32 s0, $0x6  }
0x9: {  	s5 =	sor.u32 s7, s29;
	_ =	strace $0x80000047;
	s30 =	ssub.s32 $0x2, s7  }
0xa: {  	s15 =	smul.u32 $0x138800, s7;
	s16 =	sor.u32 $0x1C02, s16;
	s18 =	sshrl.u32 @!p0 s18, $0x3  }
0xb: {  	s5 =	smul.u32 $0x500, s5;
	s6 =	sshrl.u32 s11, $0x3;
	s12 =	sshrl.u32 s30, $0x1  }
0xc: {  	s13 =	sshrl.u32 s13, $0x2;
	s14 =	sadd.s32 s6, s9;
	s12 =	ssub.s32 s30, s12  }
0xd: {  	s17 =	sadd.s32 s13, s3;
	s11 =	sadd.s32 s11, s15;
	s31 =	sshrl.u32 s15, $0x3  }
0xe: {  	s15 =	simm.s32 $0x5000;
	s8 =	sadd.s32 s5, s9;
	s9 =	sadd.s32 $0x4AC00, s9  }
0xf: {  	s11 =	sshrl.u32 s11, $0x3;
	s13 =	sadd.s32 s10, s31;
	s12 =	smax.u32 s12, $0x1  }
0x10: {  	s17 =	sshrl.u32 s17, $0x3;
	s5 =	sadd.s32 $0xFC00, s8;
	s6 =	sadd.s32 $0x5C00, s8  }
0x11: {  	s7 =	sadd.s32 $0x19C00, s8;
	s8 =	sadd.s32 $0x23C00, s14;
	s10 =	sadd.s32 s10, s11  }
0x12: {  	s11 =	sadd.s32 $0x27000, s13;
	s13 =	simm.s32 $0x2;
	s14 =	simm.s32 $0x2800  }
.LBB2_1:
0x13: {  	[tilespmem:s4], [sflag:$0x2] =	stream.linear.gather [hbm4b:s5+s4], $0x2800, $0x38;
	[tilespmem:$0x1F080] =	vst v63  }
0x14: {  	_ =	swait.ge [sflag:s13], $0x2800  }
0x15: {  	[sflag:s13] =	ssyncset.done $0x0  }
0x16: {  	[sflag:s13] =	ssyncadd.s32 $0xFFFFD800  }
0x17: {  	[tilespmem:s14], [sflag:$0x2] =	stream.linear.gather [hbm4b:s6+s4], $0x2800, $0x38;
	[tilespmem:$0x1F080] =	vst v63  }
0x18: {  	_ =	swait.ge [sflag:s13], $0x2800  }
0x19: {  	[sflag:s13] =	ssyncset.done $0x0  }
0x1a: {  	[sflag:s13] =	ssyncadd.s32 $0xFFFFD800  }
0x1b: {  	[tilespmem:s15], [sflag:$0x2] =	stream.linear.gather [hbm4b:s7+s4], $0x2800, $0x38;
	[tilespmem:$0x1F080] =	vst v63  }
0x1c: {  	_ =	swait.ge [sflag:s13], $0x2800  }
0x1d: {  	[sflag:s13] =	ssyncset.done $0x0  }
0x1e: {  	[sflag:s13] =	ssyncadd.s32 $0xFFFFD800  }
0x1f: {  	[spmem:s17], [sflag:s16] =	dma.local [hbm:s8], $0x2700  }
0x20: {  	_ =	swait.ge [sflag:s13], $0x2700  }
0x21: {  	[sflag:s13] =	ssyncset.done $0x0  }
0x22: {  	s23 =	simm.s32 @!p0 $0x2;
	[sflag:s13] =	ssyncadd.s32 $0xFFFFD900  }
0x23: {  	[spmem:s18], [sflag:s16] =	dma.local @!p0 [hbm:s9], $0x100  }
0x24: {  	_ =	swait.ge @!p0 [sflag:s23], $0x100  }
0x25: {  	[sflag:s23] =	ssyncset.done @!p0 $0x0  }
0x26: {  	[sflag:s23] =	ssyncadd.s32 @!p0 $0xFFFFFF00  }
0x27: {  	s23 =	simm.s32 $0x0;
	[bflag:$0x0] =	sbarrier.arrive $0xFFFF  }
.LBB2_2:
0x28: {  	s24 =	sshll.u32 s23, $0x7  }
0x29: {  	[tilespmem:s20], [sflag:$0x1] =	stream.indirect.gather [hbm4b:s1+s19], $0x80, s24, s19, $0xb8;
	[tilespmem:$0x1F080] =	vst v63  }
0x2a: {  	s25 =	sadd.s32 $0x0, s24;
	_ =	swait.ge [sflag:s21], $0x4000  }
0x2b: {  	v0 =	vmov s25;
	[sflag:s21] =	ssyncset.done $0x0  }
0x2c: {  	s25 =	simm.s32 $0x7840;
	[sflag:s21] =	ssyncadd.s32 $0xFFFFC000  }
0x2d: {  	v4 =	vld [tilespmem:s25+$0x30]  }
0x2e: {  	v7 =	vld [tilespmem:s25+$0x10]  }
0x2f: {  	v5 =	vld [tilespmem:s25+$0xFFFFFFC0]  }
0x30: {  	v1 =	vld.idx.msk [tilespmem:v0+s15+$0x0], $0xffff  }
0x31: {  	v9 =	vld [tilespmem:s25+$0xFFFFFFE0]  }
0x32: {  	v2 =	vld [tilespmem:s25+$0x20]  }
0x33: {  	v3 =	vld [tilespmem:s25+$0xFFFFFFD0]  }
0x34: {  	v0 =	vld [tilespmem:s25+$0xFFFFFFF0]  }
0x35: {  	v8 =	vmul.f32 v4, v1;
	v4 =	vld [tilespmem:s25+$0x0]  }
0x36: {  	v6 =	vmul.f32 v5, v1  }
0x37: {  	s26 =	simm.s32 $0x1;
	s28 =	simm.s32 $0x7840;
	v5 =	vmul.f32 v9, v1;
	v7 =	vmul.f32 v7, v1  }
.LBB2_3:
0x38: {  	p1 =	sne.s32 s26, $0x7F  }
0x39: {  	v3 =	vmul.f32 v3, v1;
	v2 =	vmul.f32 v2, v1;
	[tilespmem:s25+$0x30] =	vst v8;
	s28 =	sadd.s32 $0x80, s28;
	s29 =	smov.u32 s26;
	s26 =	sadd.s32 $0x1, s26  }
0x3a: {  	[tilespmem:s25+$0xFFFFFFC0] =	vst v6;
	v6 =	vmul.f32 v0, v1;
	v1 =	vmul.f32 v4, v1  }
0x3b: {  	s29 =	sadd.s32 s24, s29;
	[tilespmem:s25+$0x10] =	vst v7  }
0x3c: {  	v4 =	vmov s29;
	[tilespmem:s25+$0xFFFFFFE0] =	vst v5  }
0x3d: {  	v0 =	vld [tilespmem:s28+$0xFFFFFFF0];
	[tilespmem:s25+$0xFFFFFFF0] =	vst v6  }
0x3e: {  	v5 =	vld [tilespmem:s28+$0x30];
	[tilespmem:s25+$0x0] =	vst v1  }
0x3f: {  	v7 =	vld [tilespmem:s28+$0x10];
	[tilespmem:s25+$0x20] =	vst v2  }
0x40: {  	v6 =	vld [tilespmem:s28+$0xFFFFFFC0];
	[tilespmem:s25+$0xFFFFFFD0] =	vst v3;
	s25 =	smov.u32 s28  }
0x41: {  	v1 =	vld.idx.msk [tilespmem:v4+s15+$0x0], $0xffff  }
0x42: {  	v9 =	vld [tilespmem:s28+$0xFFFFFFE0]  }
0x43: {  	v2 =	vld [tilespmem:s28+$0x20]  }
.Ltmp0:
0x44: {  	v3 =	vld [tilespmem:s28+$0xFFFFFFD0];
	(pc) =	sbr.rel @p1 .LBB2_3-.Ltmp0, $3  }
0x45: {  	v4 =	vld [tilespmem:s28+$0x0];
	_ =	sdelay $0x1  }
0x46: {  	v6 =	vmul.f32 v6, v1;
	v8 =	vmul.f32 v5, v1  }
0x47: {  	v7 =	vmul.f32 v7, v1;
	v5 =	vmul.f32 v9, v1  }
0x48: {  	[tilespmem:s25+$0x30] =	vst v8  }
0x49: {  	[tilespmem:s25+$0xFFFFFFC0] =	vst v6  }
0x4a: {  	v0 =	vmul.f32 v0, v1;
	[tilespmem:s25+$0x10] =	vst v7  }
0x4b: {  	v2 =	vmul.f32 v2, v1;
	[tilespmem:s25+$0xFFFFFFE0] =	vst v5  }
0x4c: {  	v63 =	vmul.f32 v3, v1;
	[tilespmem:s25+$0xFFFFFFF0] =	vst v0  }
0x4d: {  	s23 =	sadd.s32 $0x1, s23;
	v4 =	vmul.f32 v4, v1;
	[tilespmem:s25+$0x20] =	vst v2  }
0x4e: {  	p1 =	sne.s32 s23, $0x50;
	[tilespmem:s25+$0xFFFFFFD0] =	vst v63  }
.Ltmp1:
0x4f: {  	s24 =	sadd.s32 $0x2800, s24;
	[tilespmem:s25+$0x0] =	vst v4;
	(pc) =	sbr.rel @p1 .LBB2_2-.Ltmp1, $4  }
0x50: {  	[spmem:s3] =	stream.indirect.scatter.add.f32 [tilespmem:s20], [sflag:$0x2], $0x80, s24, s19, $0xb8;
	[tilespmem:$0x1F080] =	vst v63  }
0x51: {  	_ =	swait.ge [sflag:s13], $0x4000  }
0x52: {  	[sflag:s13] =	ssyncset.done $0x0  }
0x53: {  	[sflag:s13] =	ssyncadd.s32 $0xFFFFC000  }
0x54: {  	[bflag:$0x0] =	sbarrier.arrive $0xFFFF  }
0x55: {  	[hbm:s10], [sflag:s16] =	dma.local [spmem:s17], $0x2700  }
0x56: {  	s22 =	sadd.s32 $0x1, s22;
	_ =	swait.ge [sflag:s13], $0x2700  }
0x57: {  	p1 =	sne.s32 s22, s12;
	[sflag:s13] =	ssyncset.done $0x0  }
.Ltmp2:
0x58: {  	s23 =	simm.s32 @!p0 $0x2;
	[sflag:s13] =	ssyncadd.s32 $0xFFFFD900;
	(pc) =	sbr.rel @p1 .LBB2_1-.Ltmp2, $4  }
0x59: {  	[hbm:s11], [sflag:s16] =	dma.local @!p0 [spmem:s18], $0x100  }
0x5a: {  	_ =	swait.ge @!p0 [sflag:s23], $0x100  }
0x5b: {  	[sflag:s23] =	ssyncset.done @!p0 $0x0  }
0x5c: {  	[sflag:s23] =	ssyncadd.s32 @!p0 $0xFFFFFF00  }
0x5d: {  	_ =	sfence.sel $0x180000  }
0x5e: {  	[bflag:$0x0] =	sbarrier.arrive $0xFFFF  }
0x5f: {  	p0 =	sne.s32 s0, $0x0;
	_ =	strace $0x90000047  }
0x60: {  	s0 =	sadd.s32 @!p0 $0x100000, s2;
	[bflag:$0x2] =	sbarrier.arrive $0xFFFF  }
0x61: {  	[sflag:s0] =	ssyncadd.tile.s32 @!p0 $0x1;
	_ =	shalt  }
.Lfunc_end2:
_tile_overlayer_lowered:
.L_overlay_start_2:
0x62: {  	(tag) =	ssettag $0x2  }
0x63: {  	s0 =	rddreg [dreg:$0x0];
	s2 =	stileid.u32  }
0x64: {  	s1 =	rddreg [dreg:$0x1];
	p0 =	sne.s32 s2, $0x0  }
0x65: {  	s3 =	rddreg [dreg:$0x2];
	[bflag:$0x3] =	sbarrier.arrive $0xFFFF;
	s2 =	simm.s32 @!p0 $0x1C02  }
0x66: {  	[timem:s3], [sflag:s2] =	dma.local @!p0 [hbm:s0], s1  }
0x67: {  	s0 =	simm.s32 @!p0 $0x2  }
0x68: {  	_ =	swait.ge @!p0 [sflag:s0], s1  }
0x69: {  	s1 =	ssub.s32 @!p0 $0x0, s1;
	[sflag:s0] =	ssyncset.done @!p0 $0x0  }
0x6a: {  	[sflag:s0] =	ssyncadd.s32 @!p0 s1  }
0x6b: {  	[bflag:$0x3] =	sbarrier.arrive $0xFFFF  }
0x6c: {  	_ =	shalt  }

// kernel: kernel.14.cloned.1.call-start
scs
__scs_entry_jumppad:
0x0: {  	(pc) =	sbr.rel $0x88, $3  }
0x1: {  	(tag) =	ssettag $0x0;
	lr =	simm.s32 $0x1  }
0x2: {  	[smem:$0x3F88] =	sst lr;
	_ =	strace $0xD0000000  }
0x3: {  	_ = 	snop  }
0x4: {  	_ = 	snop  }
0x5: {  	_ = 	snop  }
0x6: {  	_ = 	snop  }
0x7: {  	_ = 	snop  }
__scs_overlays_trampoline_lowered:
0x8: {  	[smem:$0x3F97] =	sst s0  }
0x9: {  	[smem:$0x3F98] =	sst s1  }
0xa: {  	[smem:$0x3F99] =	sst s2  }
0xb: {  	[smem:$0x3F9A] =	sst s3  }
0xc: {  	[smem:$0x3F9B] =	sst s4  }
0xd: {  	[smem:$0x3F9C] =	sst s5  }
0xe: {  	[smem:$0x3F9D] =	sst s6  }
0xf: {  	[smem:$0x3F9E] =	sst s7  }
0x10: {  	[smem:$0x3F9F] =	sst s8  }
0x11: {  	[smem:$0x3FA0] =	sst s9;
	s0 =	simm.s32 @!p0 $0x0  }
0x12: {  	s1 =	sld [smem:$0x3F86];
	s0 =	simm.s32 @p0 $0x1  }
0x13: {  	[smem:$0x3FA1] =	sst s0;
	s0 =	simm.s32 @!p1 $0x0  }
0x14: {  	s2 =	sld [smem:$0x3F85];
	s0 =	simm.s32 @p1 $0x1  }
0x15: {  	[smem:$0x3FA2] =	sst s0;
	s0 =	simm.s32 @!p2 $0x0  }
0x16: {  	s3 =	sld [smem:$0x3FDB];
	s0 =	simm.s32 @p2 $0x1  }
0x17: {  	s4 =	simm.s32 $0x1BF5;
	[smem:$0x3FA4] =	sst s0  }
0x18: {  	s0 =	sld [smem:$0x3F87];
	_ =	swait.ge [sflag:s4], $0x0  }
0x19: {  	s7 =	sld [smem:$0x3F88]  }
0x1a: {  	s8 =	sadd.s32 $0xFFFFE003, lr  }
0x1b: {  	s9 =	sadd.s32 $0xFFFFFEF7, lr;
	s5 =	simm.s32 $0xFFFFFFFF;
	p2 =	slt.u32 s8, $0xFFFFF086  }
0x1c: {  	p1 =	slt.u32 s9, $0xF7A;
	s5 =	simm.s32 @!p2 $0x0  }
0x1d: {  	s5 =	simm.s32 @p1 $0x1;
	p0 =	seq.s32 s7, s2  }
0x1e: {  	s7 =	smul.u32 @!p0 $0xF7A, s2;
	p2 =	seq.s32 @!p0 s5, $0x0  }
0x1f: {  	s9 =	smul.u32 $0xF7A, s1;
	s8 =	simm.s32 @!p0 $0x1BF5;
	p2 =	por !p2, p0  }
0x20: {  	[sflag:s8] =	ssyncset.s32 @!p0 $0xFFFFF086;
	s6 =	sadd.s32 @!p0 s3, s7;
	s7 =	simm.s32 @!p0 $0x108  }
0x21: {  	s3 =	sadd.s32 s3, s9;
	s6 =	sadd.s32 @!p0 $0x88, s6;
	s7 =	simm.s32 @p2 $0x1082  }
0x22: {  	[simem:s7], [sflag:s8] =	dma.local @!p0 [hbm:s6], $0xF7A  }
0x23: {  	s9 =	sor.u32 $0xD0000000, s2;
	s6 =	simm.s32 $0x108;
	_ =	swait.ge @!p0 [sflag:s8], $0x0  }
0x24: {  	s3 =	sadd.s32 $0x88, s3;
	s6 =	simm.s32 @!p1 $0x1082;
	[sflag:s4] =	ssyncset.s32 $0xFFFFF086  }
0x25: {  	[simem:s6], [sflag:s4] =	dma.local [hbm:s3], $0xF7A  }
0x26: {  	[smem:$0x3F88] =	sst s1;
	(tag) =	ssettag s2;
	_ =	strace s9  }
0x27: {  	s1 =	sld [smem:$0x3F98]  }
0x28: {  	s2 =	sld [smem:$0x3F99]  }
0x29: {  	s4 =	sld [smem:$0x3F9B]  }
0x2a: {  	p0 =	seq.s32 s5, $0x0;
	s5 =	sld [smem:$0x3F9C]  }
0x2b: {  	s6 =	sld [smem:$0x3F9D]  }
0x2c: {  	s7 =	sld [smem:$0x3F9E]  }
0x2d: {  	s3 =	simm.s32 $0x108;
	s8 =	sld [smem:$0x3F9F]  }
0x2e: {  	s3 =	simm.s32 @!p0 $0x1082;
	s9 =	sld [smem:$0x3FA0]  }
0x2f: {  	lr =	sadd.s32 s0, s3;
	s0 =	sld [smem:$0x3F97]  }
0x30: {  	s3 =	sld [smem:$0x3F9A]  }
0x31: {  	[smem:$0x3FA3] =	sst s10  }
0x32: {  	s10 =	sld [smem:$0x3FA1];
	_ =	sdelay $0x3  }
0x33: {  	p0 =	seq.s32 s10, $0x1;
	s10 =	sld [smem:$0x3FA3];
	_ =	sdelay $0x3  }
0x34: {  	[smem:$0x3FA3] =	sst s10  }
0x35: {  	s10 =	sld [smem:$0x3FA2];
	_ =	sdelay $0x3  }
0x36: {  	p1 =	seq.s32 s10, $0x1;
	s10 =	sld [smem:$0x3FA3];
	_ =	sdelay $0x3  }
0x37: {  	[smem:$0x3FA3] =	sst s10  }
0x38: {  	s10 =	sld [smem:$0x3FA4]  }
0x39: {  	_ = 	snop;
	(pc) =	sbr.ind lr, $3  }
0x3a: {  	_ = 	snop  }
0x3b: {  	_ = 	snop  }
0x3c: {  	p2 =	seq.s32 s10, $0x1;
	s10 =	sld [smem:$0x3FA3]  }
0x3d: {  	_ =	shalt  }
0x3e: {  	_ =	shalt  }
0x3f: {  	_ =	shalt  }
0x40: {  	_ =	shalt  }
0x41: {  	_ =	shalt  }
0x42: {  	_ =	shalt  }
0x43: {  	_ =	shalt  }
0x44: {  	_ =	shalt  }
0x45: {  	_ =	shalt  }
0x46: {  	_ =	shalt  }
0x47: {  	_ =	shalt  }
0x48: {  	_ =	shalt  }
0x49: {  	_ =	shalt  }
0x4a: {  	_ =	shalt  }
0x4b: {  	_ =	shalt  }
0x4c: {  	_ =	shalt  }
0x4d: {  	_ =	shalt  }
0x4e: {  	_ =	shalt  }
0x4f: {  	_ =	shalt  }
0x50: {  	_ =	shalt  }
0x51: {  	_ =	shalt  }
0x52: {  	_ =	shalt  }
0x53: {  	_ =	shalt  }
0x54: {  	_ =	shalt  }
0x55: {  	_ =	shalt  }
0x56: {  	_ =	shalt  }
0x57: {  	_ =	shalt  }
0x58: {  	_ =	shalt  }
0x59: {  	_ =	shalt  }
0x5a: {  	_ =	shalt  }
0x5b: {  	_ =	shalt  }
0x5c: {  	_ =	shalt  }
0x5d: {  	_ =	shalt  }
0x5e: {  	_ =	shalt  }
0x5f: {  	_ =	shalt  }
0x60: {  	_ =	shalt  }
0x61: {  	_ =	shalt  }
0x62: {  	_ =	shalt  }
0x63: {  	_ =	shalt  }
0x64: {  	_ =	shalt  }
0x65: {  	_ =	shalt  }
0x66: {  	_ =	shalt  }
0x67: {  	_ =	shalt  }
0x68: {  	_ =	shalt  }
0x69: {  	_ =	shalt  }
0x6a: {  	_ =	shalt  }
0x6b: {  	_ =	shalt  }
0x6c: {  	_ =	shalt  }
0x6d: {  	_ =	shalt  }
0x6e: {  	_ =	shalt  }
0x6f: {  	_ =	shalt  }
0x70: {  	_ =	shalt  }
0x71: {  	_ =	shalt  }
0x72: {  	_ =	shalt  }
0x73: {  	_ =	shalt  }
0x74: {  	_ =	shalt  }
0x75: {  	_ =	shalt  }
0x76: {  	_ =	shalt  }
0x77: {  	_ =	shalt  }
0x78: {  	_ =	shalt  }
0x79: {  	_ =	shalt  }
0x7a: {  	_ =	shalt  }
0x7b: {  	_ =	shalt  }
0x7c: {  	_ =	shalt  }
0x7d: {  	_ =	shalt  }
0x7e: {  	_ =	shalt  }
0x7f: {  	_ =	shalt  }
0x80: {  	_ =	shalt  }
0x81: {  	_ =	shalt  }
0x82: {  	_ =	shalt  }
0x83: {  	_ =	shalt  }
0x84: {  	_ =	shalt  }
0x85: {  	_ =	shalt  }
0x86: {  	_ =	shalt  }
0x87: {  	_ =	shalt  }
.Lfunc_end0:
.L_simem_size_0:
called_computation.1_lowered:
.L_overlay_start_0:
0x88: {  	s2 =	sld [smem:$0x3FD9]  }
0x89: {  	s3 =	sld [smem:$0x3FFE];
	_ =	sdelay $0x1  }
0x8a: {  	s1 =	srdreg.scid  }
0x8b: {  	s0 =	sand.u32 $0x1, s1  }
0x8c: {  	s14 =	sshll.u32 s0, $0xA;
	s2 =	sadd.s32 s3, s2  }
0x8d: {  	s2 =	sadd.s32 s2, s14  }
0x8e: {  	[smem:$0x3FAF] =	sst s2  }
0x8f: {  	_ = 	snop  }
0x90: {  	s2 =	sld [smem:$0x3FD0];
	_ =	sdelay $0x2  }
0x91: {  	s15 =	simm.s32 $0xA;
	s4 =	simm.s32 $0x10  }
0x92: {  	[smem:s4], [sflag:s15] =	dma.local [hbm:s2], $0x1  }
0x93: {  	_ =	swait.eq [sflag:s15], $0x1  }
0x94: {  	[sflag:s15] =	ssyncset.done $0x0  }
0x95: {  	[sflag:s15] =	ssyncadd.s32 $0xFFFFFFFF  }
0x96: {  	s16 =	sld [smem:$0x11];
	(tm) =	ssettm $0x1  }
0x97: {  	s17 =	sld [smem:$0x3FFB];
	_ =	sdelay $0x3  }
0x98: {  	_ =	strace s17  }
0x99: {  	s3 =	sld [smem:$0x3FFC];
	_ =	sdelay $0x3  }
0x9a: {  	_ =	strace s3  }
0x9b: {  	s3 =	sld [smem:$0x3FFD];
	_ =	sdelay $0x3  }
0x9c: {  	_ =	strace s3  }
0x9d: {  	_ =	strace $0x8FFFFFFF  }
0x9e: {  	s18 =	sld [smem:$0x3FDB];
	_ =	sdelay $0x1  }
0x9f: {  	s19 =	simm.s32 $_scs_section_size  }
0xa0: {  	s5 =	simm.s32 $_size__tile_overlayer_lowered;
	s6 =	simm.s32 $_tile_overlayer_lowered  }
0xa1: {  	s22 =	simm.s32 $0x1BFF;
	s21 =	sshll.u32 s6, $0x1;
	s3 =	sadd.s32 s19, s18  }
0xa2: {  	s7 =	simm.s32 $0x0;
	s20 =	sshll.u32 s5, $0x1;
	s5 =	sadd.s32 s21, s3  }
0xa3: {  	[timem:s7], [sflag:s22] =	dma.local [hbm:s5], s20  }
0xa4: {  	_ =	swait.ge [sflag:s22], s20  }
0xa5: {  	s4 =	ssub.s32 $0x0, s20;
	[sflag:s22] =	ssyncset.done $0x0  }
0xa6: {  	[sflag:s22] =	ssyncadd.s32 s4;
	_ =	sdelay $0x1  }
0xa7: {  	s23 =	simm.s32 $0x1B8B  }
0xa8: {  	_ =	swait.ge [sflag:s23], $0x1  }
0xa9: {  	[sflag:s23] =	ssyncset.done $0x0  }
0xaa: {  	s25 =	simm.s32 $0x1B8E;
	s24 =	sld [smem:$0x3FFE];
	[sflag:s23] =	ssyncadd.s32 $0xFFFFFFFF  }
0xab: {  	s26 =	simm.s32 $execute0_lowered;
	[smem:$0x3FD2] =	sst s25  }
0xac: {  	s5 =	sshll.u32 s26, $0x1;
	_ =	strace $0x80000049;
	[dreg:$0x1] =	wrdreg $0xFFFFFFFF  }
0xad: {  	s28 =	simm.s32 $_size_execute0_lowered;
	s3 =	sadd.s32 s3, s5;
	[dreg:$0x0] =	wrdreg $0x0  }
0xae: {  	s5 =	sshll.u32 s28, $0x1;
	[dreg:$0x2] =	wrdreg s3  }
0xaf: {  	[dreg:$0x3] =	wrdreg s5  }
0xb0: {  	[dreg:$0x4] =	wrdreg $0xC0  }
0xb1: {  	_ =	task [dreg:s7], $0x5FFFF  }
0xb2: {  	[dreg:$0x1] =	wrdreg $0xFFFFFFFF  }
0xb3: {  	[dreg:$0x0] =	wrdreg $0x60  }
0xb4: {  	[dreg:$0x2] =	wrdreg s24  }
0xb5: {  	[dreg:$0x3] =	wrdreg s16  }
0xb6: {  	[dreg:$0x4] =	wrdreg $0xB8000  }
0xb7: {  	[dreg:$0x5] =	wrdreg $0x9  }
0xb8: {  	_ =	task.clear_ibuf [dreg:s7], $0x6FFFF;
	_ =	strace $0x90000049  }
0xb9: {  	s29 =	simm.s32 $0x9;
	_ =	strace $0x8000004B  }
0xba: {  	_ =	swait.ge [sflag:s29], $0x1  }
0xbb: {  	[sflag:s29] =	ssyncadd.s32 $0xFFFFFFFF  }
0xbc: {  	_ =	strace $0x9000004B  }
0xbd: {  	_ =	sfence  }
0xbe: {  	s30 =	sld [smem:$0x0];
	_ =	sdelay $0x2  }
0xbf: {  	s31 =	sshll.u32 s1, $0xD;
	s1 =	sshrl.u32 s1, $0x2  }
0xc0: {  	s3 =	sand.u32 $0x4000, s31;
	s1 =	sadd.s32 s1, s30  }
0xc1: {  	s0 =	sor.u32 s3, s0;
	s1 =	sshll.u32 s1, $0x11  }
0xc2: {  	s0 =	sor.u32 s1, s0  }
0xc3: {  	s0 =	sadd.s32 $0x8F2B, s0  }
0xc4: {  	[sflag:s0] =	ssyncadd.remote.s32 $0x1  }
0xc5: {  	_ =	sfence.sel $0xFFFF  }
0xc6: {  	[dreg:$0x0] =	wrdreg $0xFFFFFFFF;
	(pc) =	sbr.abs _section_cstart, $3  }
0xc7: {  	[dreg:$0x1] =	wrdreg $0xFFFFFFFF  }
0xc8: {  	_ =	task.clear_ibuf [dreg:s7], $0x2FFFF;
	_ =	strace $0x9FFFFFFF  }
0xc9: {  	(tm) =	ssettm $0x7FFFFFFF  }
tec
execute0_lowered:
.L_overlay_start_1:
0x0: {  	(tag) =	ssettag $0x1  }
0x1: {  	s9 =	rddreg [dreg:$0x0]  }
0x2: {  	s10 =	rddreg [dreg:$0x1];
	s1 =	srdreg.scid  }
0x3: {  	s0 =	stileid.u32;
	s2 =	rddreg [dreg:$0x2]  }
0x4: {  	s3 =	simm.s32 $0x0;
	s19 =	simm.s32 $0x80;
	s20 =	simm.s32 $0x7800  }
0x5: {  	s21 =	simm.s32 $0x1;
	s22 =	simm.s32 $0x0;
	s7 =	sand.u32 $0x1, s1  }
0x6: {  	s4 =	sshll.u32 s0, $0x1;
	s1 =	rddreg [dreg:$0x3];
	s11 =	smul.u32 $0x13800, s0  }
0x7: {  	[smem:$0x7FF] =	sst s3;
	s13 =	smul.u32 $0x4E000, s0;
	s18 =	sadd.s32 $0x138000, s2  }
0x8: {  	p0 =	sne.s32 s0, $0xF;
	s16 =	sshll.u32 s0, $0x6;
	s4 =	sor.u32 s7, s4  }
0x9: {  	_ =	strace $0x8000004A;
	s30 =	ssub.s32 $0x2, s7;
	s15 =	smul.u32 $0x138800, s7  }
0xa: {  	s16 =	sor.u32 $0x1C02, s16;
	s18 =	sshrl.u32 @!p0 s18, $0x3;
	s5 =	smul.u32 $0x500, s4  }
0xb: {  	s4 =	sadd.s32 $0x4AE00, s9;
	s6 =	sshrl.u32 s11, $0x3;
	s12 =	sshrl.u32 s30, $0x1  }
0xc: {  	s13 =	sshrl.u32 s13, $0x2;
	s14 =	sadd.s32 s6, s9;
	s12 =	ssub.s32 s30, s12  }
0xd: {  	s17 =	sadd.s32 s13, s2;
	s11 =	sadd.s32 s11, s15;
	s31 =	sshrl.u32 s15, $0x3  }
0xe: {  	s15 =	simm.s32 $0x5000;
	s8 =	sadd.s32 s5, s9;
	s9 =	sadd.s32 $0x4AC00, s9  }
0xf: {  	s11 =	sshrl.u32 s11, $0x3;
	s13 =	sadd.s32 s10, s31;
	s12 =	smax.u32 s12, $0x1  }
0x10: {  	s17 =	sshrl.u32 s17, $0x3;
	s5 =	sadd.s32 $0xFC00, s8;
	s6 =	sadd.s32 $0x5C00, s8  }
0x11: {  	s7 =	sadd.s32 $0x19C00, s8;
	s8 =	sadd.s32 $0x23C00, s14;
	s10 =	sadd.s32 s10, s11  }
0x12: {  	s11 =	sadd.s32 $0x27000, s13;
	s13 =	simm.s32 $0x2;
	s14 =	simm.s32 $0x2800  }
.LBB2_1:
0x13: {  	[tilespmem:s3], [sflag:$0x2] =	stream.linear.gather [hbm4b:s5+s3], $0x2800, $0x38;
	[tilespmem:$0x1F080] =	vst v63  }
0x14: {  	_ =	swait.ge [sflag:s13], $0x2800  }
0x15: {  	[sflag:s13] =	ssyncset.done $0x0  }
0x16: {  	[sflag:s13] =	ssyncadd.s32 $0xFFFFD800  }
0x17: {  	[tilespmem:s14], [sflag:$0x2] =	stream.linear.gather [hbm4b:s6+s3], $0x2800, $0x38;
	[tilespmem:$0x1F080] =	vst v63  }
0x18: {  	_ =	swait.ge [sflag:s13], $0x2800  }
0x19: {  	[sflag:s13] =	ssyncset.done $0x0  }
0x1a: {  	[sflag:s13] =	ssyncadd.s32 $0xFFFFD800  }
0x1b: {  	[tilespmem:s15], [sflag:$0x2] =	stream.linear.gather [hbm4b:s7+s3], $0x2800, $0x38;
	[tilespmem:$0x1F080] =	vst v63  }
0x1c: {  	_ =	swait.ge [sflag:s13], $0x2800  }
0x1d: {  	[sflag:s13] =	ssyncset.done $0x0  }
0x1e: {  	[sflag:s13] =	ssyncadd.s32 $0xFFFFD800  }
0x1f: {  	[spmem:s17], [sflag:s16] =	dma.local [hbm:s8], $0x2700  }
0x20: {  	_ =	swait.ge [sflag:s13], $0x2700  }
0x21: {  	[sflag:s13] =	ssyncset.done $0x0  }
0x22: {  	s23 =	simm.s32 @!p0 $0x2;
	[sflag:s13] =	ssyncadd.s32 $0xFFFFD900  }
0x23: {  	[spmem:s18], [sflag:s16] =	dma.local @!p0 [hbm:s9], $0x100  }
0x24: {  	_ =	swait.ge @!p0 [sflag:s23], $0x100  }
0x25: {  	[sflag:s23] =	ssyncset.done @!p0 $0x0  }
0x26: {  	[sflag:s23] =	ssyncadd.s32 @!p0 $0xFFFFFF00  }
0x27: {  	s23 =	simm.s32 $0x0;
	[bflag:$0x0] =	sbarrier.arrive $0xFFFF  }
.LBB2_2:
0x28: {  	s24 =	sshll.u32 s23, $0x7  }
0x29: {  	[tilespmem:s20], [sflag:$0x1] =	stream.indirect.gather [hbm4b:s4+s19], $0x80, s24, s19, $0xb8;
	[tilespmem:$0x1F080] =	vst v63  }
0x2a: {  	s25 =	sadd.s32 $0x0, s24;
	_ =	swait.ge [sflag:s21], $0x4000  }
0x2b: {  	v0 =	vmov s25;
	[sflag:s21] =	ssyncset.done $0x0  }
0x2c: {  	s25 =	simm.s32 $0x7840;
	[sflag:s21] =	ssyncadd.s32 $0xFFFFC000  }
0x2d: {  	v4 =	vld [tilespmem:s25+$0x30]  }
0x2e: {  	v7 =	vld [tilespmem:s25+$0x10]  }
0x2f: {  	v5 =	vld [tilespmem:s25+$0xFFFFFFC0]  }
0x30: {  	v1 =	vld.idx.msk [tilespmem:v0+s15+$0x0], $0xffff  }
0x31: {  	v9 =	vld [tilespmem:s25+$0xFFFFFFE0]  }
0x32: {  	v2 =	vld [tilespmem:s25+$0x20]  }
0x33: {  	v3 =	vld [tilespmem:s25+$0xFFFFFFD0]  }
0x34: {  	v0 =	vld [tilespmem:s25+$0xFFFFFFF0]  }
0x35: {  	v8 =	vmul.f32 v4, v1;
	v4 =	vld [tilespmem:s25+$0x0]  }
0x36: {  	v6 =	vmul.f32 v5, v1  }
0x37: {  	s26 =	simm.s32 $0x1;
	s28 =	simm.s32 $0x7840;
	v5 =	vmul.f32 v9, v1;
	v7 =	vmul.f32 v7, v1  }
.LBB2_3:
0x38: {  	p1 =	sne.s32 s26, $0x7F  }
0x39: {  	v3 =	vmul.f32 v3, v1;
	v2 =	vmul.f32 v2, v1;
	[tilespmem:s25+$0x30] =	vst v8;
	s28 =	sadd.s32 $0x80, s28;
	s29 =	smov.u32 s26;
	s26 =	sadd.s32 $0x1, s26  }
0x3a: {  	[tilespmem:s25+$0xFFFFFFC0] =	vst v6;
	v6 =	vmul.f32 v0, v1;
	v1 =	vmul.f32 v4, v1  }
0x3b: {  	s29 =	sadd.s32 s24, s29;
	[tilespmem:s25+$0x10] =	vst v7  }
0x3c: {  	v4 =	vmov s29;
	[tilespmem:s25+$0xFFFFFFE0] =	vst v5  }
0x3d: {  	v0 =	vld [tilespmem:s28+$0xFFFFFFF0];
	[tilespmem:s25+$0xFFFFFFF0] =	vst v6  }
0x3e: {  	v5 =	vld [tilespmem:s28+$0x30];
	[tilespmem:s25+$0x0] =	vst v1  }
0x3f: {  	v7 =	vld [tilespmem:s28+$0x10];
	[tilespmem:s25+$0x20] =	vst v2  }
0x40: {  	v6 =	vld [tilespmem:s28+$0xFFFFFFC0];
	[tilespmem:s25+$0xFFFFFFD0] =	vst v3;
	s25 =	smov.u32 s28  }
0x41: {  	v1 =	vld.idx.msk [tilespmem:v4+s15+$0x0], $0xffff  }
0x42: {  	v9 =	vld [tilespmem:s28+$0xFFFFFFE0]  }
0x43: {  	v2 =	vld [tilespmem:s28+$0x20]  }
.Ltmp0:
0x44: {  	v3 =	vld [tilespmem:s28+$0xFFFFFFD0];
	(pc) =	sbr.rel @p1 .LBB2_3-.Ltmp0, $3  }
0x45: {  	v4 =	vld [tilespmem:s28+$0x0];
	_ =	sdelay $0x1  }
0x46: {  	v6 =	vmul.f32 v6, v1;
	v8 =	vmul.f32 v5, v1  }
0x47: {  	v7 =	vmul.f32 v7, v1;
	v5 =	vmul.f32 v9, v1  }
0x48: {  	[tilespmem:s25+$0x30] =	vst v8  }
0x49: {  	[tilespmem:s25+$0xFFFFFFC0] =	vst v6  }
0x4a: {  	v0 =	vmul.f32 v0, v1;
	[tilespmem:s25+$0x10] =	vst v7  }
0x4b: {  	v2 =	vmul.f32 v2, v1;
	[tilespmem:s25+$0xFFFFFFE0] =	vst v5  }
0x4c: {  	v63 =	vmul.f32 v3, v1;
	[tilespmem:s25+$0xFFFFFFF0] =	vst v0  }
0x4d: {  	s23 =	sadd.s32 $0x1, s23;
	v4 =	vmul.f32 v4, v1;
	[tilespmem:s25+$0x20] =	vst v2  }
0x4e: {  	p1 =	sne.s32 s23, $0x50;
	[tilespmem:s25+$0xFFFFFFD0] =	vst v63  }
.Ltmp1:
0x4f: {  	s24 =	sadd.s32 $0x2800, s24;
	[tilespmem:s25+$0x0] =	vst v4;
	(pc) =	sbr.rel @p1 .LBB2_2-.Ltmp1, $4  }
0x50: {  	[spmem:s2] =	stream.indirect.scatter.add.f32 [tilespmem:s20], [sflag:$0x2], $0x80, s24, s19, $0xb8;
	[tilespmem:$0x1F080] =	vst v63  }
0x51: {  	_ =	swait.ge [sflag:s13], $0x4000  }
0x52: {  	[sflag:s13] =	ssyncset.done $0x0  }
0x53: {  	[sflag:s13] =	ssyncadd.s32 $0xFFFFC000  }
0x54: {  	[bflag:$0x0] =	sbarrier.arrive $0xFFFF  }
0x55: {  	[hbm:s10], [sflag:s16] =	dma.local [spmem:s17], $0x2700  }
0x56: {  	s22 =	sadd.s32 $0x1, s22;
	_ =	swait.ge [sflag:s13], $0x2700  }
0x57: {  	p1 =	sne.s32 s22, s12;
	[sflag:s13] =	ssyncset.done $0x0  }
.Ltmp2:
0x58: {  	s23 =	simm.s32 @!p0 $0x2;
	[sflag:s13] =	ssyncadd.s32 $0xFFFFD900;
	(pc) =	sbr.rel @p1 .LBB2_1-.Ltmp2, $4  }
0x59: {  	[hbm:s11], [sflag:s16] =	dma.local @!p0 [spmem:s18], $0x100  }
0x5a: {  	_ =	swait.ge @!p0 [sflag:s23], $0x100  }
0x5b: {  	[sflag:s23] =	ssyncset.done @!p0 $0x0  }
0x5c: {  	[sflag:s23] =	ssyncadd.s32 @!p0 $0xFFFFFF00  }
0x5d: {  	_ =	sfence.sel $0x180000  }
0x5e: {  	[bflag:$0x0] =	sbarrier.arrive $0xFFFF  }
0x5f: {  	p0 =	sne.s32 s0, $0x0;
	_ =	strace $0x9000004A  }
0x60: {  	s0 =	sadd.s32 @!p0 $0x100000, s1;
	[bflag:$0x2] =	sbarrier.arrive $0xFFFF  }
0x61: {  	[sflag:s0] =	ssyncadd.tile.s32 @!p0 $0x1;
	_ =	shalt  }
.Lfunc_end2:
_tile_overlayer_lowered:
.L_overlay_start_2:
0x62: {  	(tag) =	ssettag $0x2  }
0x63: {  	s0 =	rddreg [dreg:$0x0];
	s2 =	stileid.u32  }
0x64: {  	s1 =	rddreg [dreg:$0x1];
	p0 =	sne.s32 s2, $0x0  }
0x65: {  	s3 =	rddreg [dreg:$0x2];
	[bflag:$0x3] =	sbarrier.arrive $0xFFFF;
	s2 =	simm.s32 @!p0 $0x1C02  }
0x66: {  	[timem:s3], [sflag:s2] =	dma.local @!p0 [hbm:s0], s1  }
0x67: {  	s0 =	simm.s32 @!p0 $0x2  }
0x68: {  	_ =	swait.ge @!p0 [sflag:s0], s1  }
0x69: {  	s1 =	ssub.s32 @!p0 $0x0, s1;
	[sflag:s0] =	ssyncset.done @!p0 $0x0  }
0x6a: {  	[sflag:s0] =	ssyncadd.s32 @!p0 s1  }
0x6b: {  	[bflag:$0x3] =	sbarrier.arrive $0xFFFF  }
0x6c: {  	_ =	shalt  }

// kernel: kernel.17.cloned.1.call-start
scs
__scs_entry_jumppad:
0x0: {  	(pc) =	sbr.rel $0x88, $3  }
0x1: {  	(tag) =	ssettag $0x0;
	lr =	simm.s32 $0x1  }
0x2: {  	[smem:$0x3F88] =	sst lr;
	_ =	strace $0xD0000000  }
0x3: {  	_ = 	snop  }
0x4: {  	_ = 	snop  }
0x5: {  	_ = 	snop  }
0x6: {  	_ = 	snop  }
0x7: {  	_ = 	snop  }
__scs_overlays_trampoline_lowered:
0x8: {  	[smem:$0x3F97] =	sst s0  }
0x9: {  	[smem:$0x3F98] =	sst s1  }
0xa: {  	[smem:$0x3F99] =	sst s2  }
0xb: {  	[smem:$0x3F9A] =	sst s3  }
0xc: {  	[smem:$0x3F9B] =	sst s4  }
0xd: {  	[smem:$0x3F9C] =	sst s5  }
0xe: {  	[smem:$0x3F9D] =	sst s6  }
0xf: {  	[smem:$0x3F9E] =	sst s7  }
0x10: {  	[smem:$0x3F9F] =	sst s8  }
0x11: {  	[smem:$0x3FA0] =	sst s9;
	s0 =	simm.s32 @!p0 $0x0  }
0x12: {  	s1 =	sld [smem:$0x3F86];
	s0 =	simm.s32 @p0 $0x1  }
0x13: {  	[smem:$0x3FA1] =	sst s0;
	s0 =	simm.s32 @!p1 $0x0  }
0x14: {  	s2 =	sld [smem:$0x3F85];
	s0 =	simm.s32 @p1 $0x1  }
0x15: {  	[smem:$0x3FA2] =	sst s0;
	s0 =	simm.s32 @!p2 $0x0  }
0x16: {  	s3 =	sld [smem:$0x3FDB];
	s0 =	simm.s32 @p2 $0x1  }
0x17: {  	s4 =	simm.s32 $0x1BF5;
	[smem:$0x3FA4] =	sst s0  }
0x18: {  	s0 =	sld [smem:$0x3F87];
	_ =	swait.ge [sflag:s4], $0x0  }
0x19: {  	s7 =	sld [smem:$0x3F88]  }
0x1a: {  	s8 =	sadd.s32 $0xFFFFE003, lr  }
0x1b: {  	s9 =	sadd.s32 $0xFFFFFEF7, lr;
	s5 =	simm.s32 $0xFFFFFFFF;
	p2 =	slt.u32 s8, $0xFFFFF086  }
0x1c: {  	p1 =	slt.u32 s9, $0xF7A;
	s5 =	simm.s32 @!p2 $0x0  }
0x1d: {  	s5 =	simm.s32 @p1 $0x1;
	p0 =	seq.s32 s7, s2  }
0x1e: {  	s7 =	smul.u32 @!p0 $0xF7A, s2;
	p2 =	seq.s32 @!p0 s5, $0x0  }
0x1f: {  	s9 =	smul.u32 $0xF7A, s1;
	s8 =	simm.s32 @!p0 $0x1BF5;
	p2 =	por !p2, p0  }
0x20: {  	[sflag:s8] =	ssyncset.s32 @!p0 $0xFFFFF086;
	s6 =	sadd.s32 @!p0 s3, s7;
	s7 =	simm.s32 @!p0 $0x108  }
0x21: {  	s3 =	sadd.s32 s3, s9;
	s6 =	sadd.s32 @!p0 $0x88, s6;
	s7 =	simm.s32 @p2 $0x1082  }
0x22: {  	[simem:s7], [sflag:s8] =	dma.local @!p0 [hbm:s6], $0xF7A  }
0x23: {  	s9 =	sor.u32 $0xD0000000, s2;
	s6 =	simm.s32 $0x108;
	_ =	swait.ge @!p0 [sflag:s8], $0x0  }
0x24: {  	s3 =	sadd.s32 $0x88, s3;
	s6 =	simm.s32 @!p1 $0x1082;
	[sflag:s4] =	ssyncset.s32 $0xFFFFF086  }
0x25: {  	[simem:s6], [sflag:s4] =	dma.local [hbm:s3], $0xF7A  }
0x26: {  	[smem:$0x3F88] =	sst s1;
	(tag) =	ssettag s2;
	_ =	strace s9  }
0x27: {  	s1 =	sld [smem:$0x3F98]  }
0x28: {  	s2 =	sld [smem:$0x3F99]  }
0x29: {  	s4 =	sld [smem:$0x3F9B]  }
0x2a: {  	p0 =	seq.s32 s5, $0x0;
	s5 =	sld [smem:$0x3F9C]  }
0x2b: {  	s6 =	sld [smem:$0x3F9D]  }
0x2c: {  	s7 =	sld [smem:$0x3F9E]  }
0x2d: {  	s3 =	simm.s32 $0x108;
	s8 =	sld [smem:$0x3F9F]  }
0x2e: {  	s3 =	simm.s32 @!p0 $0x1082;
	s9 =	sld [smem:$0x3FA0]  }
0x2f: {  	lr =	sadd.s32 s0, s3;
	s0 =	sld [smem:$0x3F97]  }
0x30: {  	s3 =	sld [smem:$0x3F9A]  }
0x31: {  	[smem:$0x3FA3] =	sst s10  }
0x32: {  	s10 =	sld [smem:$0x3FA1];
	_ =	sdelay $0x3  }
0x33: {  	p0 =	seq.s32 s10, $0x1;
	s10 =	sld [smem:$0x3FA3];
	_ =	sdelay $0x3  }
0x34: {  	[smem:$0x3FA3] =	sst s10  }
0x35: {  	s10 =	sld [smem:$0x3FA2];
	_ =	sdelay $0x3  }
0x36: {  	p1 =	seq.s32 s10, $0x1;
	s10 =	sld [smem:$0x3FA3];
	_ =	sdelay $0x3  }
0x37: {  	[smem:$0x3FA3] =	sst s10  }
0x38: {  	s10 =	sld [smem:$0x3FA4]  }
0x39: {  	_ = 	snop;
	(pc) =	sbr.ind lr, $3  }
0x3a: {  	_ = 	snop  }
0x3b: {  	_ = 	snop  }
0x3c: {  	p2 =	seq.s32 s10, $0x1;
	s10 =	sld [smem:$0x3FA3]  }
0x3d: {  	_ =	shalt  }
0x3e: {  	_ =	shalt  }
0x3f: {  	_ =	shalt  }
0x40: {  	_ =	shalt  }
0x41: {  	_ =	shalt  }
0x42: {  	_ =	shalt  }
0x43: {  	_ =	shalt  }
0x44: {  	_ =	shalt  }
0x45: {  	_ =	shalt  }
0x46: {  	_ =	shalt  }
0x47: {  	_ =	shalt  }
0x48: {  	_ =	shalt  }
0x49: {  	_ =	shalt  }
0x4a: {  	_ =	shalt  }
0x4b: {  	_ =	shalt  }
0x4c: {  	_ =	shalt  }
0x4d: {  	_ =	shalt  }
0x4e: {  	_ =	shalt  }
0x4f: {  	_ =	shalt  }
0x50: {  	_ =	shalt  }
0x51: {  	_ =	shalt  }
0x52: {  	_ =	shalt  }
0x53: {  	_ =	shalt  }
0x54: {  	_ =	shalt  }
0x55: {  	_ =	shalt  }
0x56: {  	_ =	shalt  }
0x57: {  	_ =	shalt  }
0x58: {  	_ =	shalt  }
0x59: {  	_ =	shalt  }
0x5a: {  	_ =	shalt  }
0x5b: {  	_ =	shalt  }
0x5c: {  	_ =	shalt  }
0x5d: {  	_ =	shalt  }
0x5e: {  	_ =	shalt  }
0x5f: {  	_ =	shalt  }
0x60: {  	_ =	shalt  }
0x61: {  	_ =	shalt  }
0x62: {  	_ =	shalt  }
0x63: {  	_ =	shalt  }
0x64: {  	_ =	shalt  }
0x65: {  	_ =	shalt  }
0x66: {  	_ =	shalt  }
0x67: {  	_ =	shalt  }
0x68: {  	_ =	shalt  }
0x69: {  	_ =	shalt  }
0x6a: {  	_ =	shalt  }
0x6b: {  	_ =	shalt  }
0x6c: {  	_ =	shalt  }
0x6d: {  	_ =	shalt  }
0x6e: {  	_ =	shalt  }
0x6f: {  	_ =	shalt  }
0x70: {  	_ =	shalt  }
0x71: {  	_ =	shalt  }
0x72: {  	_ =	shalt  }
0x73: {  	_ =	shalt  }
0x74: {  	_ =	shalt  }
0x75: {  	_ =	shalt  }
0x76: {  	_ =	shalt  }
0x77: {  	_ =	shalt  }
0x78: {  	_ =	shalt  }
0x79: {  	_ =	shalt  }
0x7a: {  	_ =	shalt  }
0x7b: {  	_ =	shalt  }
0x7c: {  	_ =	shalt  }
0x7d: {  	_ =	shalt  }
0x7e: {  	_ =	shalt  }
0x7f: {  	_ =	shalt  }
0x80: {  	_ =	shalt  }
0x81: {  	_ =	shalt  }
0x82: {  	_ =	shalt  }
0x83: {  	_ =	shalt  }
0x84: {  	_ =	shalt  }
0x85: {  	_ =	shalt  }
0x86: {  	_ =	shalt  }
0x87: {  	_ =	shalt  }
.Lfunc_end0:
.L_simem_size_0:
called_computation.2_lowered:
.L_overlay_start_0:
0x88: {  	s2 =	sld [smem:$0x3FD9]  }
0x89: {  	s3 =	sld [smem:$0x3FFE];
	_ =	sdelay $0x1  }
0x8a: {  	s1 =	srdreg.scid  }
0x8b: {  	s0 =	sand.u32 $0x1, s1  }
0x8c: {  	s14 =	sshll.u32 s0, $0xA;
	s2 =	sadd.s32 s3, s2  }
0x8d: {  	s2 =	sadd.s32 s2, s14  }
0x8e: {  	[smem:$0x3FAF] =	sst s2  }
0x8f: {  	_ = 	snop  }
0x90: {  	s2 =	sld [smem:$0x3FD0];
	_ =	sdelay $0x2  }
0x91: {  	s15 =	simm.s32 $0xA;
	s4 =	simm.s32 $0x10  }
0x92: {  	[smem:s4], [sflag:s15] =	dma.local [hbm:s2], $0x1  }
0x93: {  	_ =	swait.eq [sflag:s15], $0x1  }
0x94: {  	[sflag:s15] =	ssyncset.done $0x0  }
0x95: {  	[sflag:s15] =	ssyncadd.s32 $0xFFFFFFFF  }
0x96: {  	s16 =	sld [smem:$0x11];
	(tm) =	ssettm $0x1  }
0x97: {  	s17 =	sld [smem:$0x3FFB];
	_ =	sdelay $0x3  }
0x98: {  	_ =	strace s17  }
0x99: {  	s3 =	sld [smem:$0x3FFC];
	_ =	sdelay $0x3  }
0x9a: {  	_ =	strace s3  }
0x9b: {  	s3 =	sld [smem:$0x3FFD];
	_ =	sdelay $0x3  }
0x9c: {  	_ =	strace s3  }
0x9d: {  	_ =	strace $0x8FFFFFFF  }
0x9e: {  	s18 =	sld [smem:$0x3FDB];
	_ =	sdelay $0x1  }
0x9f: {  	s19 =	simm.s32 $_scs_section_size  }
0xa0: {  	s5 =	simm.s32 $_size__tile_overlayer_lowered;
	s6 =	simm.s32 $_tile_overlayer_lowered  }
0xa1: {  	s22 =	simm.s32 $0x1BFF;
	s21 =	sshll.u32 s6, $0x1;
	s3 =	sadd.s32 s19, s18  }
0xa2: {  	s7 =	simm.s32 $0x0;
	s20 =	sshll.u32 s5, $0x1;
	s5 =	sadd.s32 s21, s3  }
0xa3: {  	[timem:s7], [sflag:s22] =	dma.local [hbm:s5], s20  }
0xa4: {  	_ =	swait.ge [sflag:s22], s20  }
0xa5: {  	s4 =	ssub.s32 $0x0, s20;
	[sflag:s22] =	ssyncset.done $0x0  }
0xa6: {  	[sflag:s22] =	ssyncadd.s32 s4;
	_ =	sdelay $0x1  }
0xa7: {  	s23 =	simm.s32 $0x1B8B  }
0xa8: {  	_ =	swait.ge [sflag:s23], $0x1  }
0xa9: {  	[sflag:s23] =	ssyncset.done $0x0  }
0xaa: {  	s25 =	simm.s32 $0x1B8E;
	s24 =	sld [smem:$0x3FFE];
	[sflag:s23] =	ssyncadd.s32 $0xFFFFFFFF  }
0xab: {  	s26 =	simm.s32 $execute0_lowered;
	[smem:$0x3FD2] =	sst s25  }
0xac: {  	s5 =	sshll.u32 s26, $0x1;
	_ =	strace $0x8000004C;
	[dreg:$0x1] =	wrdreg $0xFFFFFFFF  }
0xad: {  	s28 =	simm.s32 $_size_execute0_lowered;
	s3 =	sadd.s32 s3, s5;
	[dreg:$0x0] =	wrdreg $0x0  }
0xae: {  	s5 =	sshll.u32 s28, $0x1;
	[dreg:$0x2] =	wrdreg s3  }
0xaf: {  	[dreg:$0x3] =	wrdreg s5  }
0xb0: {  	[dreg:$0x4] =	wrdreg $0xC0  }
0xb1: {  	_ =	task [dreg:s7], $0x5FFFF  }
0xb2: {  	[dreg:$0x1] =	wrdreg $0xFFFFFFFF  }
0xb3: {  	[dreg:$0x0] =	wrdreg $0x60  }
0xb4: {  	[dreg:$0x2] =	wrdreg s24  }
0xb5: {  	[dreg:$0x3] =	wrdreg s16  }
0xb6: {  	[dreg:$0x4] =	wrdreg $0xB8000  }
0xb7: {  	[dreg:$0x5] =	wrdreg $0x9  }
0xb8: {  	_ =	task.clear_ibuf [dreg:s7], $0x6FFFF;
	_ =	strace $0x9000004C  }
0xb9: {  	s29 =	simm.s32 $0x9;
	_ =	strace $0x8000004E  }
0xba: {  	_ =	swait.ge [sflag:s29], $0x1  }
0xbb: {  	[sflag:s29] =	ssyncadd.s32 $0xFFFFFFFF  }
0xbc: {  	_ =	strace $0x9000004E  }
0xbd: {  	_ =	sfence  }
0xbe: {  	s30 =	sld [smem:$0x0];
	_ =	sdelay $0x2  }
0xbf: {  	s31 =	sshll.u32 s1, $0xD;
	s1 =	sshrl.u32 s1, $0x2  }
0xc0: {  	s3 =	sand.u32 $0x4000, s31;
	s1 =	sadd.s32 s1, s30  }
0xc1: {  	s0 =	sor.u32 s3, s0;
	s1 =	sshll.u32 s1, $0x11  }
0xc2: {  	s0 =	sor.u32 s1, s0  }
0xc3: {  	s0 =	sadd.s32 $0x8F2B, s0  }
0xc4: {  	[sflag:s0] =	ssyncadd.remote.s32 $0x1  }
0xc5: {  	_ =	sfence.sel $0xFFFF  }
0xc6: {  	[dreg:$0x0] =	wrdreg $0xFFFFFFFF;
	(pc) =	sbr.abs _section_cstart, $3  }
0xc7: {  	[dreg:$0x1] =	wrdreg $0xFFFFFFFF  }
0xc8: {  	_ =	task.clear_ibuf [dreg:s7], $0x2FFFF;
	_ =	strace $0x9FFFFFFF  }
0xc9: {  	(tm) =	ssettm $0x7FFFFFFF  }
tec
execute0_lowered:
.L_overlay_start_1:
0x0: {  	(tag) =	ssettag $0x1  }
0x1: {  	s9 =	rddreg [dreg:$0x0]  }
0x2: {  	s10 =	rddreg [dreg:$0x1];
	s1 =	srdreg.scid  }
0x3: {  	s0 =	stileid.u32;
	s2 =	rddreg [dreg:$0x2]  }
0x4: {  	s3 =	simm.s32 $0x0;
	s19 =	simm.s32 $0x80;
	s20 =	simm.s32 $0x7800  }
0x5: {  	s21 =	simm.s32 $0x1;
	s22 =	simm.s32 $0x0;
	s7 =	sand.u32 $0x1, s1  }
0x6: {  	s4 =	sshll.u32 s0, $0x1;
	s1 =	rddreg [dreg:$0x3];
	s11 =	smul.u32 $0x13800, s0  }
0x7: {  	[smem:$0x7FF] =	sst s3;
	s13 =	smul.u32 $0x4E000, s0;
	s18 =	sadd.s32 $0x138000, s2  }
0x8: {  	p0 =	sne.s32 s0, $0xF;
	s16 =	sshll.u32 s0, $0x6;
	s4 =	sor.u32 s7, s4  }
0x9: {  	_ =	strace $0x8000004D;
	s30 =	ssub.s32 $0x2, s7;
	s15 =	smul.u32 $0x138800, s7  }
0xa: {  	s16 =	sor.u32 $0x1C02, s16;
	s18 =	sshrl.u32 @!p0 s18, $0x3;
	s5 =	smul.u32 $0x500, s4  }
0xb: {  	s4 =	sadd.s32 $0x4AE00, s9;
	s6 =	sshrl.u32 s11, $0x3;
	s12 =	sshrl.u32 s30, $0x1  }
0xc: {  	s13 =	sshrl.u32 s13, $0x2;
	s14 =	sadd.s32 s6, s9;
	s12 =	ssub.s32 s30, s12  }
0xd: {  	s17 =	sadd.s32 s13, s2;
	s11 =	sadd.s32 s11, s15;
	s31 =	sshrl.u32 s15, $0x3  }
0xe: {  	s15 =	simm.s32 $0x5000;
	s8 =	sadd.s32 s5, s9;
	s9 =	sadd.s32 $0x4AC00, s9  }
0xf: {  	s11 =	sshrl.u32 s11, $0x3;
	s13 =	sadd.s32 s10, s31;
	s12 =	smax.u32 s12, $0x1  }
0x10: {  	s17 =	sshrl.u32 s17, $0x3;
	s5 =	sadd.s32 $0xFC00, s8;
	s6 =	sadd.s32 $0x5C00, s8  }
0x11: {  	s7 =	sadd.s32 $0x19C00, s8;
	s8 =	sadd.s32 $0x23C00, s14;
	s10 =	sadd.s32 s10, s11  }
0x12: {  	s11 =	sadd.s32 $0x27000, s13;
	s13 =	simm.s32 $0x2;
	s14 =	simm.s32 $0x2800  }
.LBB2_1:
0x13: {  	[tilespmem:s3], [sflag:$0x2] =	stream.linear.gather [hbm4b:s5+s3], $0x2800, $0x38;
	[tilespmem:$0x1F080] =	vst v63  }
0x14: {  	_ =	swait.ge [sflag:s13], $0x2800  }
0x15: {  	[sflag:s13] =	ssyncset.done $0x0  }
0x16: {  	[sflag:s13] =	ssyncadd.s32 $0xFFFFD800  }
0x17: {  	[tilespmem:s14], [sflag:$0x2] =	stream.linear.gather [hbm4b:s6+s3], $0x2800, $0x38;
	[tilespmem:$0x1F080] =	vst v63  }
0x18: {  	_ =	swait.ge [sflag:s13], $0x2800  }
0x19: {  	[sflag:s13] =	ssyncset.done $0x0  }
0x1a: {  	[sflag:s13] =	ssyncadd.s32 $0xFFFFD800  }
0x1b: {  	[tilespmem:s15], [sflag:$0x2] =	stream.linear.gather [hbm4b:s7+s3], $0x2800, $0x38;
	[tilespmem:$0x1F080] =	vst v63  }
0x1c: {  	_ =	swait.ge [sflag:s13], $0x2800  }
0x1d: {  	[sflag:s13] =	ssyncset.done $0x0  }
0x1e: {  	[sflag:s13] =	ssyncadd.s32 $0xFFFFD800  }
0x1f: {  	[spmem:s17], [sflag:s16] =	dma.local [hbm:s8], $0x2700  }
0x20: {  	_ =	swait.ge [sflag:s13], $0x2700  }
0x21: {  	[sflag:s13] =	ssyncset.done $0x0  }
0x22: {  	s23 =	simm.s32 @!p0 $0x2;
	[sflag:s13] =	ssyncadd.s32 $0xFFFFD900  }
0x23: {  	[spmem:s18], [sflag:s16] =	dma.local @!p0 [hbm:s9], $0x100  }
0x24: {  	_ =	swait.ge @!p0 [sflag:s23], $0x100  }
0x25: {  	[sflag:s23] =	ssyncset.done @!p0 $0x0  }
0x26: {  	[sflag:s23] =	ssyncadd.s32 @!p0 $0xFFFFFF00  }
0x27: {  	s23 =	simm.s32 $0x0;
	[bflag:$0x0] =	sbarrier.arrive $0xFFFF  }
.LBB2_2:
0x28: {  	s24 =	sshll.u32 s23, $0x7  }
0x29: {  	[tilespmem:s20], [sflag:$0x1] =	stream.indirect.gather [hbm4b:s4+s19], $0x80, s24, s19, $0xb8;
	[tilespmem:$0x1F080] =	vst v63  }
0x2a: {  	s25 =	sadd.s32 $0x0, s24;
	_ =	swait.ge [sflag:s21], $0x4000  }
0x2b: {  	v0 =	vmov s25;
	[sflag:s21] =	ssyncset.done $0x0  }
0x2c: {  	s25 =	simm.s32 $0x7840;
	[sflag:s21] =	ssyncadd.s32 $0xFFFFC000  }
0x2d: {  	v4 =	vld [tilespmem:s25+$0x30]  }
0x2e: {  	v7 =	vld [tilespmem:s25+$0x10]  }
0x2f: {  	v5 =	vld [tilespmem:s25+$0xFFFFFFC0]  }
0x30: {  	v1 =	vld.idx.msk [tilespmem:v0+s15+$0x0], $0xffff  }
0x31: {  	v9 =	vld [tilespmem:s25+$0xFFFFFFE0]  }
0x32: {  	v2 =	vld [tilespmem:s25+$0x20]  }
0x33: {  	v3 =	vld [tilespmem:s25+$0xFFFFFFD0]  }
0x34: {  	v0 =	vld [tilespmem:s25+$0xFFFFFFF0]  }
0x35: {  	v8 =	vmul.f32 v4, v1;
	v4 =	vld [tilespmem:s25+$0x0]  }
0x36: {  	v6 =	vmul.f32 v5, v1  }
0x37: {  	s26 =	simm.s32 $0x1;
	s28 =	simm.s32 $0x7840;
	v5 =	vmul.f32 v9, v1;
	v7 =	vmul.f32 v7, v1  }
.LBB2_3:
0x38: {  	p1 =	sne.s32 s26, $0x7F  }
0x39: {  	v3 =	vmul.f32 v3, v1;
	v2 =	vmul.f32 v2, v1;
	[tilespmem:s25+$0x30] =	vst v8;
	s28 =	sadd.s32 $0x80, s28;
	s29 =	smov.u32 s26;
	s26 =	sadd.s32 $0x1, s26  }
0x3a: {  	[tilespmem:s25+$0xFFFFFFC0] =	vst v6;
	v6 =	vmul.f32 v0, v1;
	v1 =	vmul.f32 v4, v1  }
0x3b: {  	s29 =	sadd.s32 s24, s29;
	[tilespmem:s25+$0x10] =	vst v7  }
0x3c: {  	v4 =	vmov s29;
	[tilespmem:s25+$0xFFFFFFE0] =	vst v5  }
0x3d: {  	v0 =	vld [tilespmem:s28+$0xFFFFFFF0];
	[tilespmem:s25+$0xFFFFFFF0] =	vst v6  }
0x3e: {  	v5 =	vld [tilespmem:s28+$0x30];
	[tilespmem:s25+$0x0] =	vst v1  }
0x3f: {  	v7 =	vld [tilespmem:s28+$0x10];
	[tilespmem:s25+$0x20] =	vst v2  }
0x40: {  	v6 =	vld [tilespmem:s28+$0xFFFFFFC0];
	[tilespmem:s25+$0xFFFFFFD0] =	vst v3;
	s25 =	smov.u32 s28  }
0x41: {  	v1 =	vld.idx.msk [tilespmem:v4+s15+$0x0], $0xffff  }
0x42: {  	v9 =	vld [tilespmem:s28+$0xFFFFFFE0]  }
0x43: {  	v2 =	vld [tilespmem:s28+$0x20]  }
.Ltmp0:
0x44: {  	v3 =	vld [tilespmem:s28+$0xFFFFFFD0];
	(pc) =	sbr.rel @p1 .LBB2_3-.Ltmp0, $3  }
0x45: {  	v4 =	vld [tilespmem:s28+$0x0];
	_ =	sdelay $0x1  }
0x46: {  	v6 =	vmul.f32 v6, v1;
	v8 =	vmul.f32 v5, v1  }
0x47: {  	v7 =	vmul.f32 v7, v1;
	v5 =	vmul.f32 v9, v1  }
0x48: {  	[tilespmem:s25+$0x30] =	vst v8  }
0x49: {  	[tilespmem:s25+$0xFFFFFFC0] =	vst v6  }
0x4a: {  	v0 =	vmul.f32 v0, v1;
	[tilespmem:s25+$0x10] =	vst v7  }
0x4b: {  	v2 =	vmul.f32 v2, v1;
	[tilespmem:s25+$0xFFFFFFE0] =	vst v5  }
0x4c: {  	v63 =	vmul.f32 v3, v1;
	[tilespmem:s25+$0xFFFFFFF0] =	vst v0  }
0x4d: {  	s23 =	sadd.s32 $0x1, s23;
	v4 =	vmul.f32 v4, v1;
	[tilespmem:s25+$0x20] =	vst v2  }
0x4e: {  	p1 =	sne.s32 s23, $0x50;
	[tilespmem:s25+$0xFFFFFFD0] =	vst v63  }
.Ltmp1:
0x4f: {  	s24 =	sadd.s32 $0x2800, s24;
	[tilespmem:s25+$0x0] =	vst v4;
	(pc) =	sbr.rel @p1 .LBB2_2-.Ltmp1, $4  }
0x50: {  	[spmem:s2] =	stream.indirect.scatter.add.f32 [tilespmem:s20], [sflag:$0x2], $0x80, s24, s19, $0xb8;
	[tilespmem:$0x1F080] =	vst v63  }
0x51: {  	_ =	swait.ge [sflag:s13], $0x4000  }
0x52: {  	[sflag:s13] =	ssyncset.done $0x0  }
0x53: {  	[sflag:s13] =	ssyncadd.s32 $0xFFFFC000  }
0x54: {  	[bflag:$0x0] =	sbarrier.arrive $0xFFFF  }
0x55: {  	[hbm:s10], [sflag:s16] =	dma.local [spmem:s17], $0x2700  }
0x56: {  	s22 =	sadd.s32 $0x1, s22;
	_ =	swait.ge [sflag:s13], $0x2700  }
0x57: {  	p1 =	sne.s32 s22, s12;
	[sflag:s13] =	ssyncset.done $0x0  }
.Ltmp2:
0x58: {  	s23 =	simm.s32 @!p0 $0x2;
	[sflag:s13] =	ssyncadd.s32 $0xFFFFD900;
	(pc) =	sbr.rel @p1 .LBB2_1-.Ltmp2, $4  }
0x59: {  	[hbm:s11], [sflag:s16] =	dma.local @!p0 [spmem:s18], $0x100  }
0x5a: {  	_ =	swait.ge @!p0 [sflag:s23], $0x100  }
0x5b: {  	[sflag:s23] =	ssyncset.done @!p0 $0x0  }
0x5c: {  	[sflag:s23] =	ssyncadd.s32 @!p0 $0xFFFFFF00  }
0x5d: {  	_ =	sfence.sel $0x180000  }
0x5e: {  	[bflag:$0x0] =	sbarrier.arrive $0xFFFF  }
0x5f: {  	p0 =	sne.s32 s0, $0x0;
	_ =	strace $0x9000004D  }
0x60: {  	s0 =	sadd.s32 @!p0 $0x100000, s1;
	[bflag:$0x2] =	sbarrier.arrive $0xFFFF  }
0x61: {  	[sflag:s0] =	ssyncadd.tile.s32 @!p0 $0x1;
	_ =	shalt  }
.Lfunc_end2:
_tile_overlayer_lowered:
.L_overlay_start_2:
0x62: {  	(tag) =	ssettag $0x2  }
0x63: {  	s0 =	rddreg [dreg:$0x0];
	s2 =	stileid.u32  }
0x64: {  	s1 =	rddreg [dreg:$0x1];
	p0 =	sne.s32 s2, $0x0  }
0x65: {  	s3 =	rddreg [dreg:$0x2];
	[bflag:$0x3] =	sbarrier.arrive $0xFFFF;
	s2 =	simm.s32 @!p0 $0x1C02  }
0x66: {  	[timem:s3], [sflag:s2] =	dma.local @!p0 [hbm:s0], s1  }
0x67: {  	s0 =	simm.s32 @!p0 $0x2  }
0x68: {  	_ =	swait.ge @!p0 [sflag:s0], s1  }
0x69: {  	s1 =	ssub.s32 @!p0 $0x0, s1;
	[sflag:s0] =	ssyncset.done @!p0 $0x0  }
0x6a: {  	[sflag:s0] =	ssyncadd.s32 @!p0 s1  }
0x6b: {  	[bflag:$0x3] =	sbarrier.arrive $0xFFFF  }
0x6c: {  	_ =	shalt  }

</sc_bundles>
